<compile_context>
chip_gen: v7x
topology: tpu7x:2x2x1
jax: 0.10.2.dev20260603
libtpu: 0.0.44.dev20260713+nightly
codegen_flags: <defaults>
</compile_context>

<pallas_src>
import functools

import jax
import jax.numpy as jnp
from jax import lax
from jax.experimental import pallas as pl
from jax.experimental.pallas import tpu as pltpu
from jax.experimental.pallas import tpu_sc as plsc

N_NEWS = 10000
N_USERS = 10000
N_EDGES = 320000
D = 128
DEGW = 16

NC = 2
NS = 16
NW = NC * NS
EPT = N_EDGES // NW
CHUNK = 80
NCHUNK = EPT // CHUNK
NU_PAD = 10240
ROWS_PT = NU_PAD // NS


def _sc_body(news_hbm, row_hbm, col_hbm, agr_out, deg_out,
             row_v, col_v, gbuf, ones_v, zdeg, agr_sh, deg_sh, sem, sem_d):
    c = lax.axis_index("c")
    s = lax.axis_index("s")
    wid = s * NC + c

    zeros16 = jnp.zeros((16,), jnp.float32)
    ones16 = jnp.ones((16,), jnp.float32)

    def zfill(i, _):
        r = i // 8
        col8 = (i % 8) * 16
        gbuf[r, pl.ds(col8, 16)] = zeros16
        return 0
    lax.fori_loop(0, CHUNK * (D // 16), zfill, 0)

    def zdfill(i, _):
        zdeg[i, pl.ds(0, 16)] = zeros16
        ones_v[i, pl.ds(0, 16)] = ones16
        return 0
    lax.fori_loop(0, CHUNK, zdfill, 0)

    base = s * ROWS_PT
    for k in range(ROWS_PT // CHUNK):
        pltpu.sync_copy(gbuf, agr_sh.at[pl.ds(base + k * CHUNK, CHUNK)])
        pltpu.sync_copy(zdeg, deg_sh.at[pl.ds(base + k * CHUNK, CHUNK)])

    pltpu.sync_copy(row_hbm.at[wid], row_v)
    pltpu.sync_copy(col_hbm.at[wid], col_v)

    plsc.subcore_barrier()

    def step(j, _):
        g = pltpu.async_copy(news_hbm.at[row_v.at[j]], gbuf, sem)
        pltpu.async_copy(ones_v, deg_sh.at[col_v.at[j]], sem_d, add=True)
        g.wait()
        pltpu.sync_copy(gbuf, agr_sh.at[col_v.at[j]], add=True)
        return 0
    lax.fori_loop(0, NCHUNK, step, 0)

    def drain(j, _):
        pltpu.make_async_copy(deg_out.at[0].at[pl.ds(0, CHUNK)], zdeg,
                              sem_d).wait()
        return 0
    lax.fori_loop(0, NCHUNK, drain, 0)

    plsc.subcore_barrier()

    for k in range(ROWS_PT // CHUNK):
        sl = pl.ds(base + k * CHUNK, CHUNK)
        pltpu.sync_copy(agr_sh.at[sl], agr_out.at[c].at[sl])
        pltpu.sync_copy(deg_sh.at[sl], deg_out.at[c].at[sl])


_sc_call = functools.partial(
    pl.kernel,
    out_type=[
        jax.ShapeDtypeStruct((NC, NU_PAD, D), jnp.float32),
        jax.ShapeDtypeStruct((NC, NU_PAD, DEGW), jnp.float32),
    ],
    mesh=plsc.VectorSubcoreMesh(core_axis_name="c", subcore_axis_name="s",
                                num_cores=NC, num_subcores=NS),
    scratch_types=[
        pltpu.VMEM((NCHUNK, CHUNK), jnp.int32),
        pltpu.VMEM((NCHUNK, CHUNK), jnp.int32),
        pltpu.VMEM((CHUNK, D), jnp.float32),
        pltpu.VMEM((CHUNK, DEGW), jnp.float32),
        pltpu.VMEM((CHUNK, DEGW), jnp.float32),
        pltpu.VMEM_SHARED((NU_PAD, D), jnp.float32),
        pltpu.VMEM_SHARED((NU_PAD, DEGW), jnp.float32),
        pltpu.SemaphoreType.DMA,
        pltpu.SemaphoreType.DMA,
    ],
    compiler_params=pltpu.CompilerParams(use_tc_tiling_on_sc=False),
)(_sc_body)


BLK = 1000


def _mlp_body(user_ref, agrp_ref, degp_ref, w1u_ref, w1a_ref, b1_ref,
              w2_ref, b2_ref, out_ref):
    agr = agrp_ref[0] + agrp_ref[1]
    deg = degp_ref[0, :, 0:1] + degp_ref[1, :, 0:1]
    agr = agr / (deg + 1e-8)
    h = jnp.tanh(
        jnp.dot(user_ref[...], w1u_ref[...], preferred_element_type=jnp.float32)
        + jnp.dot(agr, w1a_ref[...], preferred_element_type=jnp.float32)
        + b1_ref[...])
    out_ref[...] = (
        jnp.dot(h, w2_ref[...], preferred_element_type=jnp.float32)
        + b2_ref[...])


def _mlp_call(user_feats, agr_p, deg_p, w1u, w1a, b1, w2, b2):
    grid = (N_USERS // BLK,)
    return pl.pallas_call(
        _mlp_body,
        grid=grid,
        in_specs=[
            pl.BlockSpec((BLK, D), lambda i: (i, 0)),
            pl.BlockSpec((NC, BLK, D), lambda i: (0, i, 0)),
            pl.BlockSpec((NC, BLK, DEGW), lambda i: (0, i, 0)),
            pl.BlockSpec((D, D), lambda i: (0, 0)),
            pl.BlockSpec((D, D), lambda i: (0, 0)),
            pl.BlockSpec((1, D), lambda i: (0, 0)),
            pl.BlockSpec((D, D), lambda i: (0, 0)),
            pl.BlockSpec((1, D), lambda i: (0, 0)),
        ],
        out_specs=pl.BlockSpec((BLK, D), lambda i: (i, 0)),
        out_shape=jax.ShapeDtypeStruct((N_USERS, D), jnp.float32),
    )(user_feats, agr_p, deg_p, w1u, w1a, b1, w2, b2)


def kernel(news_feats, user_feats, edge_index, W1, b1, W2, b2):
    row = edge_index[0].astype(jnp.int32).reshape(NW, NCHUNK, CHUNK)
    col = edge_index[1].astype(jnp.int32).reshape(NW, NCHUNK, CHUNK)
    agr_p, deg_p = _sc_call(news_feats, row, col)
    w1u = W1[:, :D].T
    w1a = W1[:, D:].T
    w2 = W2.T
    return _mlp_call(user_feats, agr_p, deg_p, w1u, w1a,
                     b1.reshape(1, D), w2, b2.reshape(1, D))

# --- scband reference (transcript-rebuilt; emitter-appended) ---
"""Pipeline reference for scband-user-conv-71502615544010 (READ-ONLY COPY).

The authoritative reference and input builder live on the scoring server;
editing this copy changes nothing except your own understanding.
"""

import jax, jax.numpy as jnp
import numpy as np

N_NEWS = 10000
N_USERS = 10000
N_EDGES = 320000
D_NEWS = 128
D_USER = 128
D_HID = 128
D_OUT = 128


def setup_inputs(seed: int = 0) -> dict:
    key = jax.random.key(seed)
    k1, k2, k3, k4, k5, k6, k7 = jax.random.split(key, 7)
    news_feats = jax.random.normal(k1, (N_NEWS, D_NEWS), dtype=jnp.float32)
    user_feats = jax.random.normal(k2, (N_USERS, D_USER), dtype=jnp.float32)
    # edge_index[0] = news (src/row) indices, edge_index[1] = user (dst/col) indices
    edge_index = jax.random.randint(k3, (2, N_EDGES), 0, N_NEWS, dtype=jnp.int64)
    d_in = D_USER + D_NEWS
    # Linear params (Kaiming-uniform-ish init like torch defaults)
    lim1 = 1.0 / np.sqrt(d_in)
    W1 = jax.random.uniform(k4, (D_HID, d_in), minval=-lim1, maxval=lim1, dtype=jnp.float32)
    b1 = jax.random.uniform(k5, (D_HID,), minval=-lim1, maxval=lim1, dtype=jnp.float32)
    lim2 = 1.0 / np.sqrt(D_HID)
    W2 = jax.random.uniform(k6, (D_OUT, D_HID), minval=-lim2, maxval=lim2, dtype=jnp.float32)
    b2 = jax.random.uniform(k7, (D_OUT,), minval=-lim2, maxval=lim2, dtype=jnp.float32)
    return {"news_feats": news_feats, "user_feats": user_feats, "edge_index": edge_index,
            "W1": W1, "b1": b1, "W2": W2, "b2": b2}


def reference(news_feats, user_feats, edge_index, W1, b1, W2, b2):
    row = edge_index[0]  # news node index per edge
    col = edge_index[1]  # user node index per edge
    n_users = user_feats.shape[0]
    # degree of each user (number of incoming news edges)
    n_neighbors = jnp.zeros((n_users,), dtype=jnp.float32).at[col].add(1.0)
    # sparse adjacency transpose matmul: sum news feats of each user's neighbors
    agr_feats = jax.ops.segment_sum(news_feats[row], col, num_segments=n_users)
    agr_feats = agr_feats / (n_neighbors[:, None] + 1e-08)
    out = jnp.concatenate([user_feats, agr_feats], axis=1)
    # MLP: lin1 -> tanh -> lin2
    h = jnp.tanh(out @ W1.T + b1)
    return h @ W2.T + b2

if __name__ == "__main__":
    import jax
    _d = setup_inputs()
    print(jax.jit(kernel)(*tuple(_d.values())))

</pallas_src>

<mosaic_0001>
#map = affine_map<(d0, d1) -> (0, 0)>
#map1 = affine_map<(d0, d1) -> (0, 0, 0)>
module attributes {stable_mosaic.version = 14 : i64} {
  func.func @_sc_body(%arg0: i32, %arg1: i32, %arg2: memref<10000x128xf32, #tpu.memory_space<hbm>>, %arg3: memref<32x125x80xi32, #tpu.memory_space<hbm>>, %arg4: memref<32x125x80xi32, #tpu.memory_space<hbm>>, %arg5: memref<2x10240x128xf32, #tpu.memory_space<hbm>>, %arg6: memref<2x10240x16xf32, #tpu.memory_space<hbm>>, %arg7: memref<125x80xi32, #tpu.memory_space<vmem>>, %arg8: memref<125x80xi32, #tpu.memory_space<vmem>>, %arg9: memref<80x128xf32, #tpu.memory_space<vmem>>, %arg10: memref<80x16xf32, #tpu.memory_space<vmem>>, %arg11: memref<80x16xf32, #tpu.memory_space<vmem>>, %arg12: memref<10240x128xf32, #tpu.memory_space<vmem_shared>>, %arg13: memref<10240x16xf32, #tpu.memory_space<vmem_shared>>, %arg14: memref<!tpu.dma_semaphore, #tpu.memory_space<semaphore_mem>>, %arg15: memref<!tpu.dma_semaphore, #tpu.memory_space<semaphore_mem>>) attributes {dimension_semantics = [#tpu.dimension_semantics<core_parallel>, #tpu.dimension_semantics<subcore_parallel>], iteration_bounds = array<i64: 2, 16>, scalar_prefetch = 0 : i64, scratch_operands = 9 : i64, tpu.core_type = #tpu.core_type<sc_vector_subcore>, window_params = [{transform_indices = #map}, {transform_indices = #map1}, {transform_indices = #map1}, {transform_indices = #map1}, {transform_indices = #map1}]} {
    %mul3A = arith.constant 2 : i32
    %mul3A_0 = arith.muli %arg1, %mul3A : i32
    %add3A = arith.addi %mul3A_0, %arg0 : i32
    %broadcast_in_dim3A = arith.constant 0.000000e+00 : f32
    %broadcast_in_dim3A_1 = vector.broadcast %broadcast_in_dim3A : f32 to vector<16xf32>
    %broadcast_in_dim3A_2 = arith.constant 1.000000e+00 : f32
    %broadcast_in_dim3A_3 = vector.broadcast %broadcast_in_dim3A_2 : f32 to vector<16xf32>
    %scan3A = arith.constant 0 : i32
    %scan3A_4 = arith.constant 0 : i32
    %scan3A_5 = arith.constant 640 : i32
    %scan3A_6 = arith.addi %scan3A_4, %scan3A_5 : i32
    %scan3A_7 = arith.constant 1 : i32
    %scan3A_8 = scf.for %scan3A_82 = %scan3A_4 to %scan3A_6 step %scan3A_7 iter_args(%scan3A_83 = %scan3A) -> (i32)  : i32 {
      %jit3A = arith.constant 8 : i32
      %div3A = arith.divsi %scan3A_82, %jit3A : i32
      %sign3A = arith.constant 0 : i32
      %sign3A_84 = arith.cmpi sgt, %scan3A_82, %sign3A : i32
      %sign3A_85 = arith.extui %sign3A_84 : i1 to i32
      %sign3A_86 = arith.constant 0 : i32
      %sign3A_87 = arith.cmpi slt, %scan3A_82, %sign3A_86 : i32
      %sign3A_88 = arith.extui %sign3A_87 : i1 to i32
      %sign3A_89 = arith.subi %sign3A_85, %sign3A_88 : i32
      %sign3A_90 = arith.constant 0 : i32
      %sign3A_91 = arith.cmpi sgt, %jit3A, %sign3A_90 : i32
      %sign3A_92 = arith.extui %sign3A_91 : i1 to i32
      %sign3A_93 = arith.constant 0 : i32
      %sign3A_94 = arith.cmpi slt, %jit3A, %sign3A_93 : i32
      %sign3A_95 = arith.extui %sign3A_94 : i1 to i32
      %sign3A_96 = arith.subi %sign3A_92, %sign3A_95 : i32
      %ne3A = arith.cmpi ne, %sign3A_89, %sign3A_96 : i32
      %rem3A = arith.remsi %scan3A_82, %jit3A : i32
      %ne3A_97 = arith.constant 0 : i32
      %ne3A_98 = arith.cmpi ne, %rem3A, %ne3A_97 : i32
      %and3A = arith.andi %ne3A, %ne3A_98 : i1
      %sub3A = arith.constant 1 : i32
      %sub3A_99 = arith.subi %div3A, %sub3A : i32
      %select_n3A = arith.select %and3A, %sub3A_99, %div3A : i32
      %jit3A_100 = arith.constant 8 : i32
      %eq3A = arith.constant 0 : i32
      %eq3A_101 = arith.cmpi eq, %jit3A_100, %eq3A : i32
      %jit3A_102 = arith.constant 1 : i32
      %select_n3A_103 = arith.select %eq3A_101, %jit3A_102, %jit3A_100 : i32
      %rem3A_104 = arith.remsi %scan3A_82, %select_n3A_103 : i32
      %ne3A_105 = arith.constant 0 : i32
      %ne3A_106 = arith.cmpi ne, %rem3A_104, %ne3A_105 : i32
      %lt3A = arith.constant 0 : i32
      %lt3A_107 = arith.cmpi slt, %rem3A_104, %lt3A : i32
      %lt3A_108 = arith.constant 0 : i32
      %lt3A_109 = arith.cmpi slt, %select_n3A_103, %lt3A_108 : i32
      %ne3A_110 = arith.xori %lt3A_107, %lt3A_109 : i1
      %and3A_111 = arith.andi %ne3A_110, %ne3A_106 : i1
      %add3A_112 = arith.addi %rem3A_104, %select_n3A_103 : i32
      %select_n3A_113 = arith.select %and3A_111, %add3A_112, %rem3A_104 : i32
      %mul3A_114 = arith.constant 16 : i32
      %mul3A_115 = arith.muli %select_n3A_113, %mul3A_114 : i32
      %swap3A = arith.index_cast %select_n3A : i32 to index
      %swap3A_116 = arith.index_cast %mul3A_115 : i32 to index
      %swap3A_117 = tpu.vector_load %arg9[%swap3A, %swap3A_116] {strides = array<i32>} : memref<80x128xf32, #tpu.memory_space<vmem>>, vector<1x16xf32>,
      %swap3A_118 = vector.shape_cast %swap3A_117 : vector<1x16xf32> to vector<16xf32>
      %swap3A_119 = vector.shape_cast %broadcast_in_dim3A_1 : vector<16xf32> to vector<1x16xf32>
      tpu.vector_store %arg9[%swap3A, %swap3A_116], %swap3A_119 {strides = array<i32>} : memref<80x128xf32, #tpu.memory_space<vmem>>, vector<1x16xf32>,
      %scan3A_120 = arith.constant 0 : i32
      scf.yield %scan3A_120 : i32
    }
    %scan3A_9 = arith.constant 640 : i32
    %scan3A_10 = arith.constant 0 : i32
    %scan3A_11 = arith.constant 0 : i32
    %scan3A_12 = arith.constant 80 : i32
    %scan3A_13 = arith.addi %scan3A_11, %scan3A_12 : i32
    %scan3A_14 = arith.constant 1 : i32
    %scan3A_15 = scf.for %scan3A_82 = %scan3A_11 to %scan3A_13 step %scan3A_14 iter_args(%scan3A_83 = %scan3A_10) -> (i32)  : i32 {
      %swap3A = arith.index_cast %scan3A_82 : i32 to index
      %swap3A_84 = arith.constant 0 : index
      %swap3A_85 = tpu.vector_load %arg11[%swap3A, %swap3A_84] {strides = array<i32>} : memref<80x16xf32, #tpu.memory_space<vmem>>, vector<1x16xf32>,
      %swap3A_86 = vector.shape_cast %swap3A_85 : vector<1x16xf32> to vector<16xf32>
      %swap3A_87 = vector.shape_cast %broadcast_in_dim3A_1 : vector<16xf32> to vector<1x16xf32>
      tpu.vector_store %arg11[%swap3A, %swap3A_84], %swap3A_87 {strides = array<i32>} : memref<80x16xf32, #tpu.memory_space<vmem>>, vector<1x16xf32>,
      %swap3A_88 = arith.index_cast %scan3A_82 : i32 to index
      %swap3A_89 = arith.constant 0 : index
      %swap3A_90 = tpu.vector_load %arg10[%swap3A_88, %swap3A_89] {strides = array<i32>} : memref<80x16xf32, #tpu.memory_space<vmem>>, vector<1x16xf32>,
      %swap3A_91 = vector.shape_cast %swap3A_90 : vector<1x16xf32> to vector<16xf32>
      %swap3A_92 = vector.shape_cast %broadcast_in_dim3A_3 : vector<16xf32> to vector<1x16xf32>
      tpu.vector_store %arg10[%swap3A_88, %swap3A_89], %swap3A_92 {strides = array<i32>} : memref<80x16xf32, #tpu.memory_space<vmem>>, vector<1x16xf32>,
      %scan3A_93 = arith.constant 0 : i32
      scf.yield %scan3A_93 : i32
    }
    %scan3A_16 = arith.constant 80 : i32
    %mul3A_17 = arith.constant 640 : i32
    %mul3A_18 = arith.muli %arg1, %mul3A_17 : i32
    %add3A_19 = arith.constant 0 : i32
    %add3A_20 = arith.addi %mul3A_18, %add3A_19 : i32
    "tpu.region"() ({
      %run_scoped3A = tpu.sem_alloc : memref<!tpu.dma_semaphore, #tpu.memory_space<semaphore_mem>>
      %dma_start3A = arith.constant 0 : i32
      %dma_start3A_82 = tpu.memref_slice %arg12[%add3A_20, %dma_start3A] : memref<10240x128xf32, #tpu.memory_space<vmem_shared>> -> memref<80x128xf32, #tpu.memory_space<vmem_shared>>
      %dma_start3A_83 = arith.constant 0 : i32
      %dma_start3A_84 = tpu.memref_slice %arg12[%add3A_20, %dma_start3A_83] : memref<10240x128xf32, #tpu.memory_space<vmem_shared>> -> memref<80x128xf32, #tpu.memory_space<vmem_shared>>
      tpu.enqueue_dma source(%arg9 : memref<80x128xf32, #tpu.memory_space<vmem>>) target(%dma_start3A_84 : memref<80x128xf32, #tpu.memory_space<vmem_shared>>) target_semaphore(%run_scoped3A : memref<!tpu.dma_semaphore, #tpu.memory_space<semaphore_mem>>)
      %dma_wait3A = arith.constant 0 : i32
      %dma_wait3A_85 = tpu.memref_slice %arg12[%add3A_20, %dma_wait3A] : memref<10240x128xf32, #tpu.memory_space<vmem_shared>> -> memref<80x128xf32, #tpu.memory_space<vmem_shared>>
      %dma_wait3A_86 = arith.constant 0 : i32
      %dma_wait3A_87 = tpu.memref_slice %arg12[%add3A_20, %dma_wait3A_86] : memref<10240x128xf32, #tpu.memory_space<vmem_shared>> -> memref<80x128xf32, #tpu.memory_space<vmem_shared>>
      tpu.wait_dma2 semaphore(%run_scoped3A : memref<!tpu.dma_semaphore, #tpu.memory_space<semaphore_mem>>) src(%arg9 : memref<80x128xf32, #tpu.memory_space<vmem>>) dst(%dma_wait3A_87 : memref<80x128xf32, #tpu.memory_space<vmem_shared>>)
      tpu.yield
    }) : () -> ()
    %add3A_21 = arith.constant 0 : i32
    %add3A_22 = arith.addi %mul3A_18, %add3A_21 : i32
    "tpu.region"() ({
      %run_scoped3A = tpu.sem_alloc : memref<!tpu.dma_semaphore, #tpu.memory_space<semaphore_mem>>
      %dma_start3A = arith.constant 0 : i32
      %dma_start3A_82 = tpu.memref_slice %arg13[%add3A_22, %dma_start3A] : memref<10240x16xf32, #tpu.memory_space<vmem_shared>> -> memref<80x16xf32, #tpu.memory_space<vmem_shared>>
      %dma_start3A_83 = arith.constant 0 : i32
      %dma_start3A_84 = tpu.memref_slice %arg13[%add3A_22, %dma_start3A_83] : memref<10240x16xf32, #tpu.memory_space<vmem_shared>> -> memref<80x16xf32, #tpu.memory_space<vmem_shared>>
      tpu.enqueue_dma source(%arg11 : memref<80x16xf32, #tpu.memory_space<vmem>>) target(%dma_start3A_84 : memref<80x16xf32, #tpu.memory_space<vmem_shared>>) target_semaphore(%run_scoped3A : memref<!tpu.dma_semaphore, #tpu.memory_space<semaphore_mem>>)
      %dma_wait3A = arith.constant 0 : i32
      %dma_wait3A_85 = tpu.memref_slice %arg13[%add3A_22, %dma_wait3A] : memref<10240x16xf32, #tpu.memory_space<vmem_shared>> -> memref<80x16xf32, #tpu.memory_space<vmem_shared>>
      %dma_wait3A_86 = arith.constant 0 : i32
      %dma_wait3A_87 = tpu.memref_slice %arg13[%add3A_22, %dma_wait3A_86] : memref<10240x16xf32, #tpu.memory_space<vmem_shared>> -> memref<80x16xf32, #tpu.memory_space<vmem_shared>>
      tpu.wait_dma2 semaphore(%run_scoped3A : memref<!tpu.dma_semaphore, #tpu.memory_space<semaphore_mem>>) src(%arg11 : memref<80x16xf32, #tpu.memory_space<vmem>>) dst(%dma_wait3A_87 : memref<80x16xf32, #tpu.memory_space<vmem_shared>>)
      tpu.yield
    }) : () -> ()
    %add3A_23 = arith.constant 80 : i32
    %add3A_24 = arith.addi %mul3A_18, %add3A_23 : i32
    "tpu.region"() ({
      %run_scoped3A = tpu.sem_alloc : memref<!tpu.dma_semaphore, #tpu.memory_space<semaphore_mem>>
      %dma_start3A = arith.constant 0 : i32
      %dma_start3A_82 = tpu.memref_slice %arg12[%add3A_24, %dma_start3A] : memref<10240x128xf32, #tpu.memory_space<vmem_shared>> -> memref<80x128xf32, #tpu.memory_space<vmem_shared>>
      %dma_start3A_83 = arith.constant 0 : i32
      %dma_start3A_84 = tpu.memref_slice %arg12[%add3A_24, %dma_start3A_83] : memref<10240x128xf32, #tpu.memory_space<vmem_shared>> -> memref<80x128xf32, #tpu.memory_space<vmem_shared>>
      tpu.enqueue_dma source(%arg9 : memref<80x128xf32, #tpu.memory_space<vmem>>) target(%dma_start3A_84 : memref<80x128xf32, #tpu.memory_space<vmem_shared>>) target_semaphore(%run_scoped3A : memref<!tpu.dma_semaphore, #tpu.memory_space<semaphore_mem>>)
      %dma_wait3A = arith.constant 0 : i32
      %dma_wait3A_85 = tpu.memref_slice %arg12[%add3A_24, %dma_wait3A] : memref<10240x128xf32, #tpu.memory_space<vmem_shared>> -> memref<80x128xf32, #tpu.memory_space<vmem_shared>>
      %dma_wait3A_86 = arith.constant 0 : i32
      %dma_wait3A_87 = tpu.memref_slice %arg12[%add3A_24, %dma_wait3A_86] : memref<10240x128xf32, #tpu.memory_space<vmem_shared>> -> memref<80x128xf32, #tpu.memory_space<vmem_shared>>
      tpu.wait_dma2 semaphore(%run_scoped3A : memref<!tpu.dma_semaphore, #tpu.memory_space<semaphore_mem>>) src(%arg9 : memref<80x128xf32, #tpu.memory_space<vmem>>) dst(%dma_wait3A_87 : memref<80x128xf32, #tpu.memory_space<vmem_shared>>)
      tpu.yield
    }) : () -> ()
    %add3A_25 = arith.constant 80 : i32
    %add3A_26 = arith.addi %mul3A_18, %add3A_25 : i32
    "tpu.region"() ({
      %run_scoped3A = tpu.sem_alloc : memref<!tpu.dma_semaphore, #tpu.memory_space<semaphore_mem>>
      %dma_start3A = arith.constant 0 : i32
      %dma_start3A_82 = tpu.memref_slice %arg13[%add3A_26, %dma_start3A] : memref<10240x16xf32, #tpu.memory_space<vmem_shared>> -> memref<80x16xf32, #tpu.memory_space<vmem_shared>>
      %dma_start3A_83 = arith.constant 0 : i32
      %dma_start3A_84 = tpu.memref_slice %arg13[%add3A_26, %dma_start3A_83] : memref<10240x16xf32, #tpu.memory_space<vmem_shared>> -> memref<80x16xf32, #tpu.memory_space<vmem_shared>>
      tpu.enqueue_dma source(%arg11 : memref<80x16xf32, #tpu.memory_space<vmem>>) target(%dma_start3A_84 : memref<80x16xf32, #tpu.memory_space<vmem_shared>>) target_semaphore(%run_scoped3A : memref<!tpu.dma_semaphore, #tpu.memory_space<semaphore_mem>>)
      %dma_wait3A = arith.constant 0 : i32
      %dma_wait3A_85 = tpu.memref_slice %arg13[%add3A_26, %dma_wait3A] : memref<10240x16xf32, #tpu.memory_space<vmem_shared>> -> memref<80x16xf32, #tpu.memory_space<vmem_shared>>
      %dma_wait3A_86 = arith.constant 0 : i32
      %dma_wait3A_87 = tpu.memref_slice %arg13[%add3A_26, %dma_wait3A_86] : memref<10240x16xf32, #tpu.memory_space<vmem_shared>> -> memref<80x16xf32, #tpu.memory_space<vmem_shared>>
      tpu.wait_dma2 semaphore(%run_scoped3A : memref<!tpu.dma_semaphore, #tpu.memory_space<semaphore_mem>>) src(%arg11 : memref<80x16xf32, #tpu.memory_space<vmem>>) dst(%dma_wait3A_87 : memref<80x16xf32, #tpu.memory_space<vmem_shared>>)
      tpu.yield
    }) : () -> ()
    %add3A_27 = arith.constant 160 : i32
    %add3A_28 = arith.addi %mul3A_18, %add3A_27 : i32
    "tpu.region"() ({
      %run_scoped3A = tpu.sem_alloc : memref<!tpu.dma_semaphore, #tpu.memory_space<semaphore_mem>>
      %dma_start3A = arith.constant 0 : i32
      %dma_start3A_82 = tpu.memref_slice %arg12[%add3A_28, %dma_start3A] : memref<10240x128xf32, #tpu.memory_space<vmem_shared>> -> memref<80x128xf32, #tpu.memory_space<vmem_shared>>
      %dma_start3A_83 = arith.constant 0 : i32
      %dma_start3A_84 = tpu.memref_slice %arg12[%add3A_28, %dma_start3A_83] : memref<10240x128xf32, #tpu.memory_space<vmem_shared>> -> memref<80x128xf32, #tpu.memory_space<vmem_shared>>
      tpu.enqueue_dma source(%arg9 : memref<80x128xf32, #tpu.memory_space<vmem>>) target(%dma_start3A_84 : memref<80x128xf32, #tpu.memory_space<vmem_shared>>) target_semaphore(%run_scoped3A : memref<!tpu.dma_semaphore, #tpu.memory_space<semaphore_mem>>)
      %dma_wait3A = arith.constant 0 : i32
      %dma_wait3A_85 = tpu.memref_slice %arg12[%add3A_28, %dma_wait3A] : memref<10240x128xf32, #tpu.memory_space<vmem_shared>> -> memref<80x128xf32, #tpu.memory_space<vmem_shared>>
      %dma_wait3A_86 = arith.constant 0 : i32
      %dma_wait3A_87 = tpu.memref_slice %arg12[%add3A_28, %dma_wait3A_86] : memref<10240x128xf32, #tpu.memory_space<vmem_shared>> -> memref<80x128xf32, #tpu.memory_space<vmem_shared>>
      tpu.wait_dma2 semaphore(%run_scoped3A : memref<!tpu.dma_semaphore, #tpu.memory_space<semaphore_mem>>) src(%arg9 : memref<80x128xf32, #tpu.memory_space<vmem>>) dst(%dma_wait3A_87 : memref<80x128xf32, #tpu.memory_space<vmem_shared>>)
      tpu.yield
    }) : () -> ()
    %add3A_29 = arith.constant 160 : i32
    %add3A_30 = arith.addi %mul3A_18, %add3A_29 : i32
    "tpu.region"() ({
      %run_scoped3A = tpu.sem_alloc : memref<!tpu.dma_semaphore, #tpu.memory_space<semaphore_mem>>
      %dma_start3A = arith.constant 0 : i32
      %dma_start3A_82 = tpu.memref_slice %arg13[%add3A_30, %dma_start3A] : memref<10240x16xf32, #tpu.memory_space<vmem_shared>> -> memref<80x16xf32, #tpu.memory_space<vmem_shared>>
      %dma_start3A_83 = arith.constant 0 : i32
      %dma_start3A_84 = tpu.memref_slice %arg13[%add3A_30, %dma_start3A_83] : memref<10240x16xf32, #tpu.memory_space<vmem_shared>> -> memref<80x16xf32, #tpu.memory_space<vmem_shared>>
      tpu.enqueue_dma source(%arg11 : memref<80x16xf32, #tpu.memory_space<vmem>>) target(%dma_start3A_84 : memref<80x16xf32, #tpu.memory_space<vmem_shared>>) target_semaphore(%run_scoped3A : memref<!tpu.dma_semaphore, #tpu.memory_space<semaphore_mem>>)
      %dma_wait3A = arith.constant 0 : i32
      %dma_wait3A_85 = tpu.memref_slice %arg13[%add3A_30, %dma_wait3A] : memref<10240x16xf32, #tpu.memory_space<vmem_shared>> -> memref<80x16xf32, #tpu.memory_space<vmem_shared>>
      %dma_wait3A_86 = arith.constant 0 : i32
      %dma_wait3A_87 = tpu.memref_slice %arg13[%add3A_30, %dma_wait3A_86] : memref<10240x16xf32, #tpu.memory_space<vmem_shared>> -> memref<80x16xf32, #tpu.memory_space<vmem_shared>>
      tpu.wait_dma2 semaphore(%run_scoped3A : memref<!tpu.dma_semaphore, #tpu.memory_space<semaphore_mem>>) src(%arg11 : memref<80x16xf32, #tpu.memory_space<vmem>>) dst(%dma_wait3A_87 : memref<80x16xf32, #tpu.memory_space<vmem_shared>>)
      tpu.yield
    }) : () -> ()
    %add3A_31 = arith.constant 240 : i32
    %add3A_32 = arith.addi %mul3A_18, %add3A_31 : i32
    "tpu.region"() ({
      %run_scoped3A = tpu.sem_alloc : memref<!tpu.dma_semaphore, #tpu.memory_space<semaphore_mem>>
      %dma_start3A = arith.constant 0 : i32
      %dma_start3A_82 = tpu.memref_slice %arg12[%add3A_32, %dma_start3A] : memref<10240x128xf32, #tpu.memory_space<vmem_shared>> -> memref<80x128xf32, #tpu.memory_space<vmem_shared>>
      %dma_start3A_83 = arith.constant 0 : i32
      %dma_start3A_84 = tpu.memref_slice %arg12[%add3A_32, %dma_start3A_83] : memref<10240x128xf32, #tpu.memory_space<vmem_shared>> -> memref<80x128xf32, #tpu.memory_space<vmem_shared>>
      tpu.enqueue_dma source(%arg9 : memref<80x128xf32, #tpu.memory_space<vmem>>) target(%dma_start3A_84 : memref<80x128xf32, #tpu.memory_space<vmem_shared>>) target_semaphore(%run_scoped3A : memref<!tpu.dma_semaphore, #tpu.memory_space<semaphore_mem>>)
      %dma_wait3A = arith.constant 0 : i32
      %dma_wait3A_85 = tpu.memref_slice %arg12[%add3A_32, %dma_wait3A] : memref<10240x128xf32, #tpu.memory_space<vmem_shared>> -> memref<80x128xf32, #tpu.memory_space<vmem_shared>>
      %dma_wait3A_86 = arith.constant 0 : i32
      %dma_wait3A_87 = tpu.memref_slice %arg12[%add3A_32, %dma_wait3A_86] : memref<10240x128xf32, #tpu.memory_space<vmem_shared>> -> memref<80x128xf32, #tpu.memory_space<vmem_shared>>
      tpu.wait_dma2 semaphore(%run_scoped3A : memref<!tpu.dma_semaphore, #tpu.memory_space<semaphore_mem>>) src(%arg9 : memref<80x128xf32, #tpu.memory_space<vmem>>) dst(%dma_wait3A_87 : memref<80x128xf32, #tpu.memory_space<vmem_shared>>)
      tpu.yield
    }) : () -> ()
    %add3A_33 = arith.constant 240 : i32
    %add3A_34 = arith.addi %mul3A_18, %add3A_33 : i32
    "tpu.region"() ({
      %run_scoped3A = tpu.sem_alloc : memref<!tpu.dma_semaphore, #tpu.memory_space<semaphore_mem>>
      %dma_start3A = arith.constant 0 : i32
      %dma_start3A_82 = tpu.memref_slice %arg13[%add3A_34, %dma_start3A] : memref<10240x16xf32, #tpu.memory_space<vmem_shared>> -> memref<80x16xf32, #tpu.memory_space<vmem_shared>>
      %dma_start3A_83 = arith.constant 0 : i32
      %dma_start3A_84 = tpu.memref_slice %arg13[%add3A_34, %dma_start3A_83] : memref<10240x16xf32, #tpu.memory_space<vmem_shared>> -> memref<80x16xf32, #tpu.memory_space<vmem_shared>>
      tpu.enqueue_dma source(%arg11 : memref<80x16xf32, #tpu.memory_space<vmem>>) target(%dma_start3A_84 : memref<80x16xf32, #tpu.memory_space<vmem_shared>>) target_semaphore(%run_scoped3A : memref<!tpu.dma_semaphore, #tpu.memory_space<semaphore_mem>>)
      %dma_wait3A = arith.constant 0 : i32
      %dma_wait3A_85 = tpu.memref_slice %arg13[%add3A_34, %dma_wait3A] : memref<10240x16xf32, #tpu.memory_space<vmem_shared>> -> memref<80x16xf32, #tpu.memory_space<vmem_shared>>
      %dma_wait3A_86 = arith.constant 0 : i32
      %dma_wait3A_87 = tpu.memref_slice %arg13[%add3A_34, %dma_wait3A_86] : memref<10240x16xf32, #tpu.memory_space<vmem_shared>> -> memref<80x16xf32, #tpu.memory_space<vmem_shared>>
      tpu.wait_dma2 semaphore(%run_scoped3A : memref<!tpu.dma_semaphore, #tpu.memory_space<semaphore_mem>>) src(%arg11 : memref<80x16xf32, #tpu.memory_space<vmem>>) dst(%dma_wait3A_87 : memref<80x16xf32, #tpu.memory_space<vmem_shared>>)
      tpu.yield
    }) : () -> ()
    %add3A_35 = arith.constant 320 : i32
    %add3A_36 = arith.addi %mul3A_18, %add3A_35 : i32
    "tpu.region"() ({
      %run_scoped3A = tpu.sem_alloc : memref<!tpu.dma_semaphore, #tpu.memory_space<semaphore_mem>>
      %dma_start3A = arith.constant 0 : i32
      %dma_start3A_82 = tpu.memref_slice %arg12[%add3A_36, %dma_start3A] : memref<10240x128xf32, #tpu.memory_space<vmem_shared>> -> memref<80x128xf32, #tpu.memory_space<vmem_shared>>
      %dma_start3A_83 = arith.constant 0 : i32
      %dma_start3A_84 = tpu.memref_slice %arg12[%add3A_36, %dma_start3A_83] : memref<10240x128xf32, #tpu.memory_space<vmem_shared>> -> memref<80x128xf32, #tpu.memory_space<vmem_shared>>
      tpu.enqueue_dma source(%arg9 : memref<80x128xf32, #tpu.memory_space<vmem>>) target(%dma_start3A_84 : memref<80x128xf32, #tpu.memory_space<vmem_shared>>) target_semaphore(%run_scoped3A : memref<!tpu.dma_semaphore, #tpu.memory_space<semaphore_mem>>)
      %dma_wait3A = arith.constant 0 : i32
      %dma_wait3A_85 = tpu.memref_slice %arg12[%add3A_36, %dma_wait3A] : memref<10240x128xf32, #tpu.memory_space<vmem_shared>> -> memref<80x128xf32, #tpu.memory_space<vmem_shared>>
      %dma_wait3A_86 = arith.constant 0 : i32
      %dma_wait3A_87 = tpu.memref_slice %arg12[%add3A_36, %dma_wait3A_86] : memref<10240x128xf32, #tpu.memory_space<vmem_shared>> -> memref<80x128xf32, #tpu.memory_space<vmem_shared>>
      tpu.wait_dma2 semaphore(%run_scoped3A : memref<!tpu.dma_semaphore, #tpu.memory_space<semaphore_mem>>) src(%arg9 : memref<80x128xf32, #tpu.memory_space<vmem>>) dst(%dma_wait3A_87 : memref<80x128xf32, #tpu.memory_space<vmem_shared>>)
      tpu.yield
    }) : () -> ()
    %add3A_37 = arith.constant 320 : i32
    %add3A_38 = arith.addi %mul3A_18, %add3A_37 : i32
    "tpu.region"() ({
      %run_scoped3A = tpu.sem_alloc : memref<!tpu.dma_semaphore, #tpu.memory_space<semaphore_mem>>
      %dma_start3A = arith.constant 0 : i32
      %dma_start3A_82 = tpu.memref_slice %arg13[%add3A_38, %dma_start3A] : memref<10240x16xf32, #tpu.memory_space<vmem_shared>> -> memref<80x16xf32, #tpu.memory_space<vmem_shared>>
      %dma_start3A_83 = arith.constant 0 : i32
      %dma_start3A_84 = tpu.memref_slice %arg13[%add3A_38, %dma_start3A_83] : memref<10240x16xf32, #tpu.memory_space<vmem_shared>> -> memref<80x16xf32, #tpu.memory_space<vmem_shared>>
      tpu.enqueue_dma source(%arg11 : memref<80x16xf32, #tpu.memory_space<vmem>>) target(%dma_start3A_84 : memref<80x16xf32, #tpu.memory_space<vmem_shared>>) target_semaphore(%run_scoped3A : memref<!tpu.dma_semaphore, #tpu.memory_space<semaphore_mem>>)
      %dma_wait3A = arith.constant 0 : i32
      %dma_wait3A_85 = tpu.memref_slice %arg13[%add3A_38, %dma_wait3A] : memref<10240x16xf32, #tpu.memory_space<vmem_shared>> -> memref<80x16xf32, #tpu.memory_space<vmem_shared>>
      %dma_wait3A_86 = arith.constant 0 : i32
      %dma_wait3A_87 = tpu.memref_slice %arg13[%add3A_38, %dma_wait3A_86] : memref<10240x16xf32, #tpu.memory_space<vmem_shared>> -> memref<80x16xf32, #tpu.memory_space<vmem_shared>>
      tpu.wait_dma2 semaphore(%run_scoped3A : memref<!tpu.dma_semaphore, #tpu.memory_space<semaphore_mem>>) src(%arg11 : memref<80x16xf32, #tpu.memory_space<vmem>>) dst(%dma_wait3A_87 : memref<80x16xf32, #tpu.memory_space<vmem_shared>>)
      tpu.yield
    }) : () -> ()
    %add3A_39 = arith.constant 400 : i32
    %add3A_40 = arith.addi %mul3A_18, %add3A_39 : i32
    "tpu.region"() ({
      %run_scoped3A = tpu.sem_alloc : memref<!tpu.dma_semaphore, #tpu.memory_space<semaphore_mem>>
      %dma_start3A = arith.constant 0 : i32
      %dma_start3A_82 = tpu.memref_slice %arg12[%add3A_40, %dma_start3A] : memref<10240x128xf32, #tpu.memory_space<vmem_shared>> -> memref<80x128xf32, #tpu.memory_space<vmem_shared>>
      %dma_start3A_83 = arith.constant 0 : i32
      %dma_start3A_84 = tpu.memref_slice %arg12[%add3A_40, %dma_start3A_83] : memref<10240x128xf32, #tpu.memory_space<vmem_shared>> -> memref<80x128xf32, #tpu.memory_space<vmem_shared>>
      tpu.enqueue_dma source(%arg9 : memref<80x128xf32, #tpu.memory_space<vmem>>) target(%dma_start3A_84 : memref<80x128xf32, #tpu.memory_space<vmem_shared>>) target_semaphore(%run_scoped3A : memref<!tpu.dma_semaphore, #tpu.memory_space<semaphore_mem>>)
      %dma_wait3A = arith.constant 0 : i32
      %dma_wait3A_85 = tpu.memref_slice %arg12[%add3A_40, %dma_wait3A] : memref<10240x128xf32, #tpu.memory_space<vmem_shared>> -> memref<80x128xf32, #tpu.memory_space<vmem_shared>>
      %dma_wait3A_86 = arith.constant 0 : i32
      %dma_wait3A_87 = tpu.memref_slice %arg12[%add3A_40, %dma_wait3A_86] : memref<10240x128xf32, #tpu.memory_space<vmem_shared>> -> memref<80x128xf32, #tpu.memory_space<vmem_shared>>
      tpu.wait_dma2 semaphore(%run_scoped3A : memref<!tpu.dma_semaphore, #tpu.memory_space<semaphore_mem>>) src(%arg9 : memref<80x128xf32, #tpu.memory_space<vmem>>) dst(%dma_wait3A_87 : memref<80x128xf32, #tpu.memory_space<vmem_shared>>)
      tpu.yield
    }) : () -> ()
    %add3A_41 = arith.constant 400 : i32
    %add3A_42 = arith.addi %mul3A_18, %add3A_41 : i32
    "tpu.region"() ({
      %run_scoped3A = tpu.sem_alloc : memref<!tpu.dma_semaphore, #tpu.memory_space<semaphore_mem>>
      %dma_start3A = arith.constant 0 : i32
      %dma_start3A_82 = tpu.memref_slice %arg13[%add3A_42, %dma_start3A] : memref<10240x16xf32, #tpu.memory_space<vmem_shared>> -> memref<80x16xf32, #tpu.memory_space<vmem_shared>>
      %dma_start3A_83 = arith.constant 0 : i32
      %dma_start3A_84 = tpu.memref_slice %arg13[%add3A_42, %dma_start3A_83] : memref<10240x16xf32, #tpu.memory_space<vmem_shared>> -> memref<80x16xf32, #tpu.memory_space<vmem_shared>>
      tpu.enqueue_dma source(%arg11 : memref<80x16xf32, #tpu.memory_space<vmem>>) target(%dma_start3A_84 : memref<80x16xf32, #tpu.memory_space<vmem_shared>>) target_semaphore(%run_scoped3A : memref<!tpu.dma_semaphore, #tpu.memory_space<semaphore_mem>>)
      %dma_wait3A = arith.constant 0 : i32
      %dma_wait3A_85 = tpu.memref_slice %arg13[%add3A_42, %dma_wait3A] : memref<10240x16xf32, #tpu.memory_space<vmem_shared>> -> memref<80x16xf32, #tpu.memory_space<vmem_shared>>
      %dma_wait3A_86 = arith.constant 0 : i32
      %dma_wait3A_87 = tpu.memref_slice %arg13[%add3A_42, %dma_wait3A_86] : memref<10240x16xf32, #tpu.memory_space<vmem_shared>> -> memref<80x16xf32, #tpu.memory_space<vmem_shared>>
      tpu.wait_dma2 semaphore(%run_scoped3A : memref<!tpu.dma_semaphore, #tpu.memory_space<semaphore_mem>>) src(%arg11 : memref<80x16xf32, #tpu.memory_space<vmem>>) dst(%dma_wait3A_87 : memref<80x16xf32, #tpu.memory_space<vmem_shared>>)
      tpu.yield
    }) : () -> ()
    %add3A_43 = arith.constant 480 : i32
    %add3A_44 = arith.addi %mul3A_18, %add3A_43 : i32
    "tpu.region"() ({
      %run_scoped3A = tpu.sem_alloc : memref<!tpu.dma_semaphore, #tpu.memory_space<semaphore_mem>>
      %dma_start3A = arith.constant 0 : i32
      %dma_start3A_82 = tpu.memref_slice %arg12[%add3A_44, %dma_start3A] : memref<10240x128xf32, #tpu.memory_space<vmem_shared>> -> memref<80x128xf32, #tpu.memory_space<vmem_shared>>
      %dma_start3A_83 = arith.constant 0 : i32
      %dma_start3A_84 = tpu.memref_slice %arg12[%add3A_44, %dma_start3A_83] : memref<10240x128xf32, #tpu.memory_space<vmem_shared>> -> memref<80x128xf32, #tpu.memory_space<vmem_shared>>
      tpu.enqueue_dma source(%arg9 : memref<80x128xf32, #tpu.memory_space<vmem>>) target(%dma_start3A_84 : memref<80x128xf32, #tpu.memory_space<vmem_shared>>) target_semaphore(%run_scoped3A : memref<!tpu.dma_semaphore, #tpu.memory_space<semaphore_mem>>)
      %dma_wait3A = arith.constant 0 : i32
      %dma_wait3A_85 = tpu.memref_slice %arg12[%add3A_44, %dma_wait3A] : memref<10240x128xf32, #tpu.memory_space<vmem_shared>> -> memref<80x128xf32, #tpu.memory_space<vmem_shared>>
      %dma_wait3A_86 = arith.constant 0 : i32
      %dma_wait3A_87 = tpu.memref_slice %arg12[%add3A_44, %dma_wait3A_86] : memref<10240x128xf32, #tpu.memory_space<vmem_shared>> -> memref<80x128xf32, #tpu.memory_space<vmem_shared>>
      tpu.wait_dma2 semaphore(%run_scoped3A : memref<!tpu.dma_semaphore, #tpu.memory_space<semaphore_mem>>) src(%arg9 : memref<80x128xf32, #tpu.memory_space<vmem>>) dst(%dma_wait3A_87 : memref<80x128xf32, #tpu.memory_space<vmem_shared>>)
      tpu.yield
    }) : () -> ()
    %add3A_45 = arith.constant 480 : i32
    %add3A_46 = arith.addi %mul3A_18, %add3A_45 : i32
    "tpu.region"() ({
      %run_scoped3A = tpu.sem_alloc : memref<!tpu.dma_semaphore, #tpu.memory_space<semaphore_mem>>
      %dma_start3A = arith.constant 0 : i32
      %dma_start3A_82 = tpu.memref_slice %arg13[%add3A_46, %dma_start3A] : memref<10240x16xf32, #tpu.memory_space<vmem_shared>> -> memref<80x16xf32, #tpu.memory_space<vmem_shared>>
      %dma_start3A_83 = arith.constant 0 : i32
      %dma_start3A_84 = tpu.memref_slice %arg13[%add3A_46, %dma_start3A_83] : memref<10240x16xf32, #tpu.memory_space<vmem_shared>> -> memref<80x16xf32, #tpu.memory_space<vmem_shared>>
      tpu.enqueue_dma source(%arg11 : memref<80x16xf32, #tpu.memory_space<vmem>>) target(%dma_start3A_84 : memref<80x16xf32, #tpu.memory_space<vmem_shared>>) target_semaphore(%run_scoped3A : memref<!tpu.dma_semaphore, #tpu.memory_space<semaphore_mem>>)
      %dma_wait3A = arith.constant 0 : i32
      %dma_wait3A_85 = tpu.memref_slice %arg13[%add3A_46, %dma_wait3A] : memref<10240x16xf32, #tpu.memory_space<vmem_shared>> -> memref<80x16xf32, #tpu.memory_space<vmem_shared>>
      %dma_wait3A_86 = arith.constant 0 : i32
      %dma_wait3A_87 = tpu.memref_slice %arg13[%add3A_46, %dma_wait3A_86] : memref<10240x16xf32, #tpu.memory_space<vmem_shared>> -> memref<80x16xf32, #tpu.memory_space<vmem_shared>>
      tpu.wait_dma2 semaphore(%run_scoped3A : memref<!tpu.dma_semaphore, #tpu.memory_space<semaphore_mem>>) src(%arg11 : memref<80x16xf32, #tpu.memory_space<vmem>>) dst(%dma_wait3A_87 : memref<80x16xf32, #tpu.memory_space<vmem_shared>>)
      tpu.yield
    }) : () -> ()
    %add3A_47 = arith.constant 560 : i32
    %add3A_48 = arith.addi %mul3A_18, %add3A_47 : i32
    "tpu.region"() ({
      %run_scoped3A = tpu.sem_alloc : memref<!tpu.dma_semaphore, #tpu.memory_space<semaphore_mem>>
      %dma_start3A = arith.constant 0 : i32
      %dma_start3A_82 = tpu.memref_slice %arg12[%add3A_48, %dma_start3A] : memref<10240x128xf32, #tpu.memory_space<vmem_shared>> -> memref<80x128xf32, #tpu.memory_space<vmem_shared>>
      %dma_start3A_83 = arith.constant 0 : i32
      %dma_start3A_84 = tpu.memref_slice %arg12[%add3A_48, %dma_start3A_83] : memref<10240x128xf32, #tpu.memory_space<vmem_shared>> -> memref<80x128xf32, #tpu.memory_space<vmem_shared>>
      tpu.enqueue_dma source(%arg9 : memref<80x128xf32, #tpu.memory_space<vmem>>) target(%dma_start3A_84 : memref<80x128xf32, #tpu.memory_space<vmem_shared>>) target_semaphore(%run_scoped3A : memref<!tpu.dma_semaphore, #tpu.memory_space<semaphore_mem>>)
      %dma_wait3A = arith.constant 0 : i32
      %dma_wait3A_85 = tpu.memref_slice %arg12[%add3A_48, %dma_wait3A] : memref<10240x128xf32, #tpu.memory_space<vmem_shared>> -> memref<80x128xf32, #tpu.memory_space<vmem_shared>>
      %dma_wait3A_86 = arith.constant 0 : i32
      %dma_wait3A_87 = tpu.memref_slice %arg12[%add3A_48, %dma_wait3A_86] : memref<10240x128xf32, #tpu.memory_space<vmem_shared>> -> memref<80x128xf32, #tpu.memory_space<vmem_shared>>
      tpu.wait_dma2 semaphore(%run_scoped3A : memref<!tpu.dma_semaphore, #tpu.memory_space<semaphore_mem>>) src(%arg9 : memref<80x128xf32, #tpu.memory_space<vmem>>) dst(%dma_wait3A_87 : memref<80x128xf32, #tpu.memory_space<vmem_shared>>)
      tpu.yield
    }) : () -> ()
    %add3A_49 = arith.constant 560 : i32
    %add3A_50 = arith.addi %mul3A_18, %add3A_49 : i32
    "tpu.region"() ({
      %run_scoped3A = tpu.sem_alloc : memref<!tpu.dma_semaphore, #tpu.memory_space<semaphore_mem>>
      %dma_start3A = arith.constant 0 : i32
      %dma_start3A_82 = tpu.memref_slice %arg13[%add3A_50, %dma_start3A] : memref<10240x16xf32, #tpu.memory_space<vmem_shared>> -> memref<80x16xf32, #tpu.memory_space<vmem_shared>>
      %dma_start3A_83 = arith.constant 0 : i32
      %dma_start3A_84 = tpu.memref_slice %arg13[%add3A_50, %dma_start3A_83] : memref<10240x16xf32, #tpu.memory_space<vmem_shared>> -> memref<80x16xf32, #tpu.memory_space<vmem_shared>>
      tpu.enqueue_dma source(%arg11 : memref<80x16xf32, #tpu.memory_space<vmem>>) target(%dma_start3A_84 : memref<80x16xf32, #tpu.memory_space<vmem_shared>>) target_semaphore(%run_scoped3A : memref<!tpu.dma_semaphore, #tpu.memory_space<semaphore_mem>>)
      %dma_wait3A = arith.constant 0 : i32
      %dma_wait3A_85 = tpu.memref_slice %arg13[%add3A_50, %dma_wait3A] : memref<10240x16xf32, #tpu.memory_space<vmem_shared>> -> memref<80x16xf32, #tpu.memory_space<vmem_shared>>
      %dma_wait3A_86 = arith.constant 0 : i32
      %dma_wait3A_87 = tpu.memref_slice %arg13[%add3A_50, %dma_wait3A_86] : memref<10240x16xf32, #tpu.memory_space<vmem_shared>> -> memref<80x16xf32, #tpu.memory_space<vmem_shared>>
      tpu.wait_dma2 semaphore(%run_scoped3A : memref<!tpu.dma_semaphore, #tpu.memory_space<semaphore_mem>>) src(%arg11 : memref<80x16xf32, #tpu.memory_space<vmem>>) dst(%dma_wait3A_87 : memref<80x16xf32, #tpu.memory_space<vmem_shared>>)
      tpu.yield
    }) : () -> ()
    "tpu.region"() ({
      %run_scoped3A = tpu.sem_alloc : memref<!tpu.dma_semaphore, #tpu.memory_space<semaphore_mem>>
      %dma_start3A = arith.constant 0 : i32
      %dma_start3A_82 = arith.constant 0 : i32
      %dma_start3A_83 = tpu.memref_slice %arg3[%add3A, %dma_start3A, %dma_start3A_82] : memref<32x125x80xi32, #tpu.memory_space<hbm>> -> memref<1x125x80xi32, #tpu.memory_space<hbm>>
      %dma_start3A_84 = tpu.memref_squeeze %dma_start3A_83 : memref<1x125x80xi32, #tpu.memory_space<hbm>> -> memref<125x80xi32, #tpu.memory_space<hbm>>
      %dma_start3A_85 = arith.constant 0 : i32
      %dma_start3A_86 = arith.constant 0 : i32
      %dma_start3A_87 = tpu.memref_slice %arg3[%add3A, %dma_start3A_85, %dma_start3A_86] : memref<32x125x80xi32, #tpu.memory_space<hbm>> -> memref<1x125x80xi32, #tpu.memory_space<hbm>>
      %dma_start3A_88 = tpu.memref_squeeze %dma_start3A_87 : memref<1x125x80xi32, #tpu.memory_space<hbm>> -> memref<125x80xi32, #tpu.memory_space<hbm>>
      tpu.enqueue_dma source(%dma_start3A_88 : memref<125x80xi32, #tpu.memory_space<hbm>>) target(%arg7 : memref<125x80xi32, #tpu.memory_space<vmem>>) target_semaphore(%run_scoped3A : memref<!tpu.dma_semaphore, #tpu.memory_space<semaphore_mem>>)
      %dma_wait3A = arith.constant 0 : i32
      %dma_wait3A_89 = arith.constant 0 : i32
      %dma_wait3A_90 = tpu.memref_slice %arg3[%add3A, %dma_wait3A, %dma_wait3A_89] : memref<32x125x80xi32, #tpu.memory_space<hbm>> -> memref<1x125x80xi32, #tpu.memory_space<hbm>>
      %dma_wait3A_91 = tpu.memref_squeeze %dma_wait3A_90 : memref<1x125x80xi32, #tpu.memory_space<hbm>> -> memref<125x80xi32, #tpu.memory_space<hbm>>
      %dma_wait3A_92 = arith.constant 0 : i32
      %dma_wait3A_93 = arith.constant 0 : i32
      %dma_wait3A_94 = tpu.memref_slice %arg3[%add3A, %dma_wait3A_92, %dma_wait3A_93] : memref<32x125x80xi32, #tpu.memory_space<hbm>> -> memref<1x125x80xi32, #tpu.memory_space<hbm>>
      %dma_wait3A_95 = tpu.memref_squeeze %dma_wait3A_94 : memref<1x125x80xi32, #tpu.memory_space<hbm>> -> memref<125x80xi32, #tpu.memory_space<hbm>>
      tpu.wait_dma2 semaphore(%run_scoped3A : memref<!tpu.dma_semaphore, #tpu.memory_space<semaphore_mem>>) src(%dma_wait3A_95 : memref<125x80xi32, #tpu.memory_space<hbm>>) dst(%arg7 : memref<125x80xi32, #tpu.memory_space<vmem>>)
      tpu.yield
    }) : () -> ()
    "tpu.region"() ({
      %run_scoped3A = tpu.sem_alloc : memref<!tpu.dma_semaphore, #tpu.memory_space<semaphore_mem>>
      %dma_start3A = arith.constant 0 : i32
      %dma_start3A_82 = arith.constant 0 : i32
      %dma_start3A_83 = tpu.memref_slice %arg4[%add3A, %dma_start3A, %dma_start3A_82] : memref<32x125x80xi32, #tpu.memory_space<hbm>> -> memref<1x125x80xi32, #tpu.memory_space<hbm>>
      %dma_start3A_84 = tpu.memref_squeeze %dma_start3A_83 : memref<1x125x80xi32, #tpu.memory_space<hbm>> -> memref<125x80xi32, #tpu.memory_space<hbm>>
      %dma_start3A_85 = arith.constant 0 : i32
      %dma_start3A_86 = arith.constant 0 : i32
      %dma_start3A_87 = tpu.memref_slice %arg4[%add3A, %dma_start3A_85, %dma_start3A_86] : memref<32x125x80xi32, #tpu.memory_space<hbm>> -> memref<1x125x80xi32, #tpu.memory_space<hbm>>
      %dma_start3A_88 = tpu.memref_squeeze %dma_start3A_87 : memref<1x125x80xi32, #tpu.memory_space<hbm>> -> memref<125x80xi32, #tpu.memory_space<hbm>>
      tpu.enqueue_dma source(%dma_start3A_88 : memref<125x80xi32, #tpu.memory_space<hbm>>) target(%arg8 : memref<125x80xi32, #tpu.memory_space<vmem>>) target_semaphore(%run_scoped3A : memref<!tpu.dma_semaphore, #tpu.memory_space<semaphore_mem>>)
      %dma_wait3A = arith.constant 0 : i32
      %dma_wait3A_89 = arith.constant 0 : i32
      %dma_wait3A_90 = tpu.memref_slice %arg4[%add3A, %dma_wait3A, %dma_wait3A_89] : memref<32x125x80xi32, #tpu.memory_space<hbm>> -> memref<1x125x80xi32, #tpu.memory_space<hbm>>
      %dma_wait3A_91 = tpu.memref_squeeze %dma_wait3A_90 : memref<1x125x80xi32, #tpu.memory_space<hbm>> -> memref<125x80xi32, #tpu.memory_space<hbm>>
      %dma_wait3A_92 = arith.constant 0 : i32
      %dma_wait3A_93 = arith.constant 0 : i32
      %dma_wait3A_94 = tpu.memref_slice %arg4[%add3A, %dma_wait3A_92, %dma_wait3A_93] : memref<32x125x80xi32, #tpu.memory_space<hbm>> -> memref<1x125x80xi32, #tpu.memory_space<hbm>>
      %dma_wait3A_95 = tpu.memref_squeeze %dma_wait3A_94 : memref<1x125x80xi32, #tpu.memory_space<hbm>> -> memref<125x80xi32, #tpu.memory_space<hbm>>
      tpu.wait_dma2 semaphore(%run_scoped3A : memref<!tpu.dma_semaphore, #tpu.memory_space<semaphore_mem>>) src(%dma_wait3A_95 : memref<125x80xi32, #tpu.memory_space<hbm>>) dst(%arg8 : memref<125x80xi32, #tpu.memory_space<vmem>>)
      tpu.yield
    }) : () -> ()
    %barrier3A = arith.constant 0 : index
    tpu.barrier barrier_id(%barrier3A)
    %scan3A_51 = arith.constant 0 : i32
    %scan3A_52 = arith.constant 0 : i32
    %scan3A_53 = arith.constant 125 : i32
    %scan3A_54 = arith.addi %scan3A_52, %scan3A_53 : i32
    %scan3A_55 = arith.constant 1 : i32
    %scan3A_56 = scf.for %scan3A_82 = %scan3A_52 to %scan3A_54 step %scan3A_55 iter_args(%scan3A_83 = %scan3A_51) -> (i32)  : i32 {
      %dma_start3A = arith.constant 0 : i32
      %dma_start3A_84 = tpu.memref_slice %arg7[%scan3A_82, %dma_start3A] : memref<125x80xi32, #tpu.memory_space<vmem>> -> memref<1x80xi32, #tpu.memory_space<vmem>>
      %dma_start3A_85 = tpu.memref_squeeze %dma_start3A_84 : memref<1x80xi32, #tpu.memory_space<vmem>> -> memref<80xi32, #tpu.memory_space<vmem>>
      %dma_start3A_86 = arith.constant 0 : i32
      %dma_start3A_87 = arith.constant 0 : i32
      %dma_start3A_88 = tpu.memref_slice %arg2[%dma_start3A_86, %dma_start3A_87] : memref<10000x128xf32, #tpu.memory_space<hbm>> -> memref<10000x128xf32, #tpu.memory_space<hbm>>
      tpu.enqueue_indirect_dma source(%dma_start3A_88 : memref<10000x128xf32, #tpu.memory_space<hbm>>) target(%arg9 : memref<80x128xf32, #tpu.memory_space<vmem>>) offsets(%dma_start3A_85 : memref<80xi32, #tpu.memory_space<vmem>>) semaphore(%arg14 : memref<!tpu.dma_semaphore, #tpu.memory_space<semaphore_mem>>)
      %dma_start3A_89 = arith.constant 0 : i32
      %dma_start3A_90 = tpu.memref_slice %arg8[%scan3A_82, %dma_start3A_89] : memref<125x80xi32, #tpu.memory_space<vmem>> -> memref<1x80xi32, #tpu.memory_space<vmem>>
      %dma_start3A_91 = tpu.memref_squeeze %dma_start3A_90 : memref<1x80xi32, #tpu.memory_space<vmem>> -> memref<80xi32, #tpu.memory_space<vmem>>
      %dma_start3A_92 = arith.constant 0 : i32
      %dma_start3A_93 = arith.constant 0 : i32
      %dma_start3A_94 = tpu.memref_slice %arg13[%dma_start3A_92, %dma_start3A_93] : memref<10240x16xf32, #tpu.memory_space<vmem_shared>> -> memref<10240x16xf32, #tpu.memory_space<vmem_shared>>
      tpu.enqueue_indirect_dma source(%arg10 : memref<80x16xf32, #tpu.memory_space<vmem>>) target(%dma_start3A_94 : memref<10240x16xf32, #tpu.memory_space<vmem_shared>>) offsets(%dma_start3A_91 : memref<80xi32, #tpu.memory_space<vmem>>) semaphore(%arg15 : memref<!tpu.dma_semaphore, #tpu.memory_space<semaphore_mem>>) {add = true}
      %dma_wait3A = arith.constant 0 : i32
      %dma_wait3A_95 = tpu.memref_slice %arg7[%scan3A_82, %dma_wait3A] : memref<125x80xi32, #tpu.memory_space<vmem>> -> memref<1x80xi32, #tpu.memory_space<vmem>>
      %dma_wait3A_96 = tpu.memref_squeeze %dma_wait3A_95 : memref<1x80xi32, #tpu.memory_space<vmem>> -> memref<80xi32, #tpu.memory_space<vmem>>
      %dma_wait3A_97 = arith.constant 0 : i32
      %dma_wait3A_98 = arith.constant 0 : i32
      %dma_wait3A_99 = tpu.memref_slice %arg2[%dma_wait3A_97, %dma_wait3A_98] : memref<10000x128xf32, #tpu.memory_space<hbm>> -> memref<10000x128xf32, #tpu.memory_space<hbm>>
      tpu.wait_indirect_dma semaphore(%arg14 : memref<!tpu.dma_semaphore, #tpu.memory_space<semaphore_mem>>) src(%dma_wait3A_99 : memref<10000x128xf32, #tpu.memory_space<hbm>>) dst(%arg9 : memref<80x128xf32, #tpu.memory_space<vmem>>)
      "tpu.region"() ({
        %run_scoped3A = tpu.sem_alloc : memref<!tpu.dma_semaphore, #tpu.memory_space<semaphore_mem>>
        %dma_start3A_101 = arith.constant 0 : i32
        %dma_start3A_102 = tpu.memref_slice %arg8[%scan3A_82, %dma_start3A_101] : memref<125x80xi32, #tpu.memory_space<vmem>> -> memref<1x80xi32, #tpu.memory_space<vmem>>
        %dma_start3A_103 = tpu.memref_squeeze %dma_start3A_102 : memref<1x80xi32, #tpu.memory_space<vmem>> -> memref<80xi32, #tpu.memory_space<vmem>>
        %dma_start3A_104 = arith.constant 0 : i32
        %dma_start3A_105 = arith.constant 0 : i32
        %dma_start3A_106 = tpu.memref_slice %arg12[%dma_start3A_104, %dma_start3A_105] : memref<10240x128xf32, #tpu.memory_space<vmem_shared>> -> memref<10240x128xf32, #tpu.memory_space<vmem_shared>>
        tpu.enqueue_indirect_dma source(%arg9 : memref<80x128xf32, #tpu.memory_space<vmem>>) target(%dma_start3A_106 : memref<10240x128xf32, #tpu.memory_space<vmem_shared>>) offsets(%dma_start3A_103 : memref<80xi32, #tpu.memory_space<vmem>>) semaphore(%run_scoped3A : memref<!tpu.dma_semaphore, #tpu.memory_space<semaphore_mem>>) {add = true}
        %dma_wait3A_107 = arith.constant 0 : i32
        %dma_wait3A_108 = tpu.memref_slice %arg8[%scan3A_82, %dma_wait3A_107] : memref<125x80xi32, #tpu.memory_space<vmem>> -> memref<1x80xi32, #tpu.memory_space<vmem>>
        %dma_wait3A_109 = tpu.memref_squeeze %dma_wait3A_108 : memref<1x80xi32, #tpu.memory_space<vmem>> -> memref<80xi32, #tpu.memory_space<vmem>>
        %dma_wait3A_110 = arith.constant 0 : i32
        %dma_wait3A_111 = arith.constant 0 : i32
        %dma_wait3A_112 = tpu.memref_slice %arg12[%dma_wait3A_110, %dma_wait3A_111] : memref<10240x128xf32, #tpu.memory_space<vmem_shared>> -> memref<10240x128xf32, #tpu.memory_space<vmem_shared>>
        tpu.wait_indirect_dma semaphore(%run_scoped3A : memref<!tpu.dma_semaphore, #tpu.memory_space<semaphore_mem>>) src(%arg9 : memref<80x128xf32, #tpu.memory_space<vmem>>) dst(%dma_wait3A_112 : memref<10240x128xf32, #tpu.memory_space<vmem_shared>>)
        tpu.yield
      }) : () -> ()
      %scan3A_100 = arith.constant 0 : i32
      scf.yield %scan3A_100 : i32
    }
    %scan3A_57 = arith.constant 125 : i32
    %scan3A_58 = arith.constant 0 : i32
    %scan3A_59 = arith.constant 0 : i32
    %scan3A_60 = arith.constant 125 : i32
    %scan3A_61 = arith.addi %scan3A_59, %scan3A_60 : i32
    %scan3A_62 = arith.constant 1 : i32
    %scan3A_63 = scf.for %scan3A_82 = %scan3A_59 to %scan3A_61 step %scan3A_62 iter_args(%scan3A_83 = %scan3A_58) -> (i32)  : i32 {
      %dma_wait3A = arith.constant 0 : i32
      %dma_wait3A_84 = arith.constant 0 : i32
      %dma_wait3A_85 = arith.constant 0 : i32
      %dma_wait3A_86 = tpu.memref_slice %arg6[%dma_wait3A, %dma_wait3A_84, %dma_wait3A_85] : memref<2x10240x16xf32, #tpu.memory_space<hbm>> -> memref<1x10240x16xf32, #tpu.memory_space<hbm>>
      %dma_wait3A_87 = tpu.memref_squeeze %dma_wait3A_86 : memref<1x10240x16xf32, #tpu.memory_space<hbm>> -> memref<10240x16xf32, #tpu.memory_space<hbm>>
      %dma_wait3A_88 = arith.constant 0 : i32
      %dma_wait3A_89 = arith.constant 0 : i32
      %dma_wait3A_90 = tpu.memref_slice %dma_wait3A_87[%dma_wait3A_88, %dma_wait3A_89] : memref<10240x16xf32, #tpu.memory_space<hbm>> -> memref<80x16xf32, #tpu.memory_space<hbm>>
      %dma_wait3A_91 = arith.constant 0 : i32
      %dma_wait3A_92 = arith.constant 0 : i32
      %dma_wait3A_93 = tpu.memref_slice %arg6[%dma_wait3A, %dma_wait3A_91, %dma_wait3A_92] : memref<2x10240x16xf32, #tpu.memory_space<hbm>> -> memref<1x10240x16xf32, #tpu.memory_space<hbm>>
      %dma_wait3A_94 = tpu.memref_squeeze %dma_wait3A_93 : memref<1x10240x16xf32, #tpu.memory_space<hbm>> -> memref<10240x16xf32, #tpu.memory_space<hbm>>
      %dma_wait3A_95 = arith.constant 0 : i32
      %dma_wait3A_96 = arith.constant 0 : i32
      %dma_wait3A_97 = tpu.memref_slice %dma_wait3A_94[%dma_wait3A_95, %dma_wait3A_96] : memref<10240x16xf32, #tpu.memory_space<hbm>> -> memref<80x16xf32, #tpu.memory_space<hbm>>
      tpu.wait_dma2 semaphore(%arg15 : memref<!tpu.dma_semaphore, #tpu.memory_space<semaphore_mem>>) src(%dma_wait3A_97 : memref<80x16xf32, #tpu.memory_space<hbm>>) dst(%arg11 : memref<80x16xf32, #tpu.memory_space<vmem>>)
      %scan3A_98 = arith.constant 0 : i32
      scf.yield %scan3A_98 : i32
    }
    %scan3A_64 = arith.constant 125 : i32
    %barrier3A_65 = arith.constant 0 : index
    tpu.barrier barrier_id(%barrier3A_65)
    %add3A_66 = arith.constant 0 : i32
    %add3A_67 = arith.addi %mul3A_18, %add3A_66 : i32
    "tpu.region"() ({
      %run_scoped3A = tpu.sem_alloc : memref<!tpu.dma_semaphore, #tpu.memory_space<semaphore_mem>>
      %dma_start3A = arith.constant 0 : i32
      %dma_start3A_82 = arith.constant 0 : i32
      %dma_start3A_83 = tpu.memref_slice %arg5[%arg0, %dma_start3A, %dma_start3A_82] : memref<2x10240x128xf32, #tpu.memory_space<hbm>> -> memref<1x10240x128xf32, #tpu.memory_space<hbm>>
      %dma_start3A_84 = tpu.memref_squeeze %dma_start3A_83 : memref<1x10240x128xf32, #tpu.memory_space<hbm>> -> memref<10240x128xf32, #tpu.memory_space<hbm>>
      %dma_start3A_85 = arith.constant 0 : i32
      %dma_start3A_86 = tpu.memref_slice %dma_start3A_84[%add3A_67, %dma_start3A_85] : memref<10240x128xf32, #tpu.memory_space<hbm>> -> memref<80x128xf32, #tpu.memory_space<hbm>>
      %dma_start3A_87 = arith.constant 0 : i32
      %dma_start3A_88 = tpu.memref_slice %arg12[%add3A_67, %dma_start3A_87] : memref<10240x128xf32, #tpu.memory_space<vmem_shared>> -> memref<80x128xf32, #tpu.memory_space<vmem_shared>>
      tpu.enqueue_dma source(%dma_start3A_88 : memref<80x128xf32, #tpu.memory_space<vmem_shared>>) target(%dma_start3A_86 : memref<80x128xf32, #tpu.memory_space<hbm>>) target_semaphore(%run_scoped3A : memref<!tpu.dma_semaphore, #tpu.memory_space<semaphore_mem>>)
      %dma_wait3A = arith.constant 0 : i32
      %dma_wait3A_89 = arith.constant 0 : i32
      %dma_wait3A_90 = tpu.memref_slice %arg5[%arg0, %dma_wait3A, %dma_wait3A_89] : memref<2x10240x128xf32, #tpu.memory_space<hbm>> -> memref<1x10240x128xf32, #tpu.memory_space<hbm>>
      %dma_wait3A_91 = tpu.memref_squeeze %dma_wait3A_90 : memref<1x10240x128xf32, #tpu.memory_space<hbm>> -> memref<10240x128xf32, #tpu.memory_space<hbm>>
      %dma_wait3A_92 = arith.constant 0 : i32
      %dma_wait3A_93 = tpu.memref_slice %dma_wait3A_91[%add3A_67, %dma_wait3A_92] : memref<10240x128xf32, #tpu.memory_space<hbm>> -> memref<80x128xf32, #tpu.memory_space<hbm>>
      %dma_wait3A_94 = arith.constant 0 : i32
      %dma_wait3A_95 = tpu.memref_slice %arg12[%add3A_67, %dma_wait3A_94] : memref<10240x128xf32, #tpu.memory_space<vmem_shared>> -> memref<80x128xf32, #tpu.memory_space<vmem_shared>>
      tpu.wait_dma2 semaphore(%run_scoped3A : memref<!tpu.dma_semaphore, #tpu.memory_space<semaphore_mem>>) src(%dma_wait3A_95 : memref<80x128xf32, #tpu.memory_space<vmem_shared>>) dst(%dma_wait3A_93 : memref<80x128xf32, #tpu.memory_space<hbm>>)
      tpu.yield
    }) : () -> ()
    "tpu.region"() ({
      %run_scoped3A = tpu.sem_alloc : memref<!tpu.dma_semaphore, #tpu.memory_space<semaphore_mem>>
      %dma_start3A = arith.constant 0 : i32
      %dma_start3A_82 = arith.constant 0 : i32
      %dma_start3A_83 = tpu.memref_slice %arg6[%arg0, %dma_start3A, %dma_start3A_82] : memref<2x10240x16xf32, #tpu.memory_space<hbm>> -> memref<1x10240x16xf32, #tpu.memory_space<hbm>>
      %dma_start3A_84 = tpu.memref_squeeze %dma_start3A_83 : memref<1x10240x16xf32, #tpu.memory_space<hbm>> -> memref<10240x16xf32, #tpu.memory_space<hbm>>
      %dma_start3A_85 = arith.constant 0 : i32
      %dma_start3A_86 = tpu.memref_slice %dma_start3A_84[%add3A_67, %dma_start3A_85] : memref<10240x16xf32, #tpu.memory_space<hbm>> -> memref<80x16xf32, #tpu.memory_space<hbm>>
      %dma_start3A_87 = arith.constant 0 : i32
      %dma_start3A_88 = tpu.memref_slice %arg13[%add3A_67, %dma_start3A_87] : memref<10240x16xf32, #tpu.memory_space<vmem_shared>> -> memref<80x16xf32, #tpu.memory_space<vmem_shared>>
      tpu.enqueue_dma source(%dma_start3A_88 : memref<80x16xf32, #tpu.memory_space<vmem_shared>>) target(%dma_start3A_86 : memref<80x16xf32, #tpu.memory_space<hbm>>) target_semaphore(%run_scoped3A : memref<!tpu.dma_semaphore, #tpu.memory_space<semaphore_mem>>)
      %dma_wait3A = arith.constant 0 : i32
      %dma_wait3A_89 = arith.constant 0 : i32
      %dma_wait3A_90 = tpu.memref_slice %arg6[%arg0, %dma_wait3A, %dma_wait3A_89] : memref<2x10240x16xf32, #tpu.memory_space<hbm>> -> memref<1x10240x16xf32, #tpu.memory_space<hbm>>
      %dma_wait3A_91 = tpu.memref_squeeze %dma_wait3A_90 : memref<1x10240x16xf32, #tpu.memory_space<hbm>> -> memref<10240x16xf32, #tpu.memory_space<hbm>>
      %dma_wait3A_92 = arith.constant 0 : i32
      %dma_wait3A_93 = tpu.memref_slice %dma_wait3A_91[%add3A_67, %dma_wait3A_92] : memref<10240x16xf32, #tpu.memory_space<hbm>> -> memref<80x16xf32, #tpu.memory_space<hbm>>
      %dma_wait3A_94 = arith.constant 0 : i32
      %dma_wait3A_95 = tpu.memref_slice %arg13[%add3A_67, %dma_wait3A_94] : memref<10240x16xf32, #tpu.memory_space<vmem_shared>> -> memref<80x16xf32, #tpu.memory_space<vmem_shared>>
      tpu.wait_dma2 semaphore(%run_scoped3A : memref<!tpu.dma_semaphore, #tpu.memory_space<semaphore_mem>>) src(%dma_wait3A_95 : memref<80x16xf32, #tpu.memory_space<vmem_shared>>) dst(%dma_wait3A_93 : memref<80x16xf32, #tpu.memory_space<hbm>>)
      tpu.yield
    }) : () -> ()
    %add3A_68 = arith.constant 80 : i32
    %add3A_69 = arith.addi %mul3A_18, %add3A_68 : i32
    "tpu.region"() ({
      %run_scoped3A = tpu.sem_alloc : memref<!tpu.dma_semaphore, #tpu.memory_space<semaphore_mem>>
      %dma_start3A = arith.constant 0 : i32
      %dma_start3A_82 = arith.constant 0 : i32
      %dma_start3A_83 = tpu.memref_slice %arg5[%arg0, %dma_start3A, %dma_start3A_82] : memref<2x10240x128xf32, #tpu.memory_space<hbm>> -> memref<1x10240x128xf32, #tpu.memory_space<hbm>>
      %dma_start3A_84 = tpu.memref_squeeze %dma_start3A_83 : memref<1x10240x128xf32, #tpu.memory_space<hbm>> -> memref<10240x128xf32, #tpu.memory_space<hbm>>
      %dma_start3A_85 = arith.constant 0 : i32
      %dma_start3A_86 = tpu.memref_slice %dma_start3A_84[%add3A_69, %dma_start3A_85] : memref<10240x128xf32, #tpu.memory_space<hbm>> -> memref<80x128xf32, #tpu.memory_space<hbm>>
      %dma_start3A_87 = arith.constant 0 : i32
      %dma_start3A_88 = tpu.memref_slice %arg12[%add3A_69, %dma_start3A_87] : memref<10240x128xf32, #tpu.memory_space<vmem_shared>> -> memref<80x128xf32, #tpu.memory_space<vmem_shared>>
      tpu.enqueue_dma source(%dma_start3A_88 : memref<80x128xf32, #tpu.memory_space<vmem_shared>>) target(%dma_start3A_86 : memref<80x128xf32, #tpu.memory_space<hbm>>) target_semaphore(%run_scoped3A : memref<!tpu.dma_semaphore, #tpu.memory_space<semaphore_mem>>)
      %dma_wait3A = arith.constant 0 : i32
      %dma_wait3A_89 = arith.constant 0 : i32
      %dma_wait3A_90 = tpu.memref_slice %arg5[%arg0, %dma_wait3A, %dma_wait3A_89] : memref<2x10240x128xf32, #tpu.memory_space<hbm>> -> memref<1x10240x128xf32, #tpu.memory_space<hbm>>
      %dma_wait3A_91 = tpu.memref_squeeze %dma_wait3A_90 : memref<1x10240x128xf32, #tpu.memory_space<hbm>> -> memref<10240x128xf32, #tpu.memory_space<hbm>>
      %dma_wait3A_92 = arith.constant 0 : i32
      %dma_wait3A_93 = tpu.memref_slice %dma_wait3A_91[%add3A_69, %dma_wait3A_92] : memref<10240x128xf32, #tpu.memory_space<hbm>> -> memref<80x128xf32, #tpu.memory_space<hbm>>
      %dma_wait3A_94 = arith.constant 0 : i32
      %dma_wait3A_95 = tpu.memref_slice %arg12[%add3A_69, %dma_wait3A_94] : memref<10240x128xf32, #tpu.memory_space<vmem_shared>> -> memref<80x128xf32, #tpu.memory_space<vmem_shared>>
      tpu.wait_dma2 semaphore(%run_scoped3A : memref<!tpu.dma_semaphore, #tpu.memory_space<semaphore_mem>>) src(%dma_wait3A_95 : memref<80x128xf32, #tpu.memory_space<vmem_shared>>) dst(%dma_wait3A_93 : memref<80x128xf32, #tpu.memory_space<hbm>>)
      tpu.yield
    }) : () -> ()
    "tpu.region"() ({
      %run_scoped3A = tpu.sem_alloc : memref<!tpu.dma_semaphore, #tpu.memory_space<semaphore_mem>>
      %dma_start3A = arith.constant 0 : i32
      %dma_start3A_82 = arith.constant 0 : i32
      %dma_start3A_83 = tpu.memref_slice %arg6[%arg0, %dma_start3A, %dma_start3A_82] : memref<2x10240x16xf32, #tpu.memory_space<hbm>> -> memref<1x10240x16xf32, #tpu.memory_space<hbm>>
      %dma_start3A_84 = tpu.memref_squeeze %dma_start3A_83 : memref<1x10240x16xf32, #tpu.memory_space<hbm>> -> memref<10240x16xf32, #tpu.memory_space<hbm>>
      %dma_start3A_85 = arith.constant 0 : i32
      %dma_start3A_86 = tpu.memref_slice %dma_start3A_84[%add3A_69, %dma_start3A_85] : memref<10240x16xf32, #tpu.memory_space<hbm>> -> memref<80x16xf32, #tpu.memory_space<hbm>>
      %dma_start3A_87 = arith.constant 0 : i32
      %dma_start3A_88 = tpu.memref_slice %arg13[%add3A_69, %dma_start3A_87] : memref<10240x16xf32, #tpu.memory_space<vmem_shared>> -> memref<80x16xf32, #tpu.memory_space<vmem_shared>>
      tpu.enqueue_dma source(%dma_start3A_88 : memref<80x16xf32, #tpu.memory_space<vmem_shared>>) target(%dma_start3A_86 : memref<80x16xf32, #tpu.memory_space<hbm>>) target_semaphore(%run_scoped3A : memref<!tpu.dma_semaphore, #tpu.memory_space<semaphore_mem>>)
      %dma_wait3A = arith.constant 0 : i32
      %dma_wait3A_89 = arith.constant 0 : i32
      %dma_wait3A_90 = tpu.memref_slice %arg6[%arg0, %dma_wait3A, %dma_wait3A_89] : memref<2x10240x16xf32, #tpu.memory_space<hbm>> -> memref<1x10240x16xf32, #tpu.memory_space<hbm>>
      %dma_wait3A_91 = tpu.memref_squeeze %dma_wait3A_90 : memref<1x10240x16xf32, #tpu.memory_space<hbm>> -> memref<10240x16xf32, #tpu.memory_space<hbm>>
      %dma_wait3A_92 = arith.constant 0 : i32
      %dma_wait3A_93 = tpu.memref_slice %dma_wait3A_91[%add3A_69, %dma_wait3A_92] : memref<10240x16xf32, #tpu.memory_space<hbm>> -> memref<80x16xf32, #tpu.memory_space<hbm>>
      %dma_wait3A_94 = arith.constant 0 : i32
      %dma_wait3A_95 = tpu.memref_slice %arg13[%add3A_69, %dma_wait3A_94] : memref<10240x16xf32, #tpu.memory_space<vmem_shared>> -> memref<80x16xf32, #tpu.memory_space<vmem_shared>>
      tpu.wait_dma2 semaphore(%run_scoped3A : memref<!tpu.dma_semaphore, #tpu.memory_space<semaphore_mem>>) src(%dma_wait3A_95 : memref<80x16xf32, #tpu.memory_space<vmem_shared>>) dst(%dma_wait3A_93 : memref<80x16xf32, #tpu.memory_space<hbm>>)
      tpu.yield
    }) : () -> ()
    %add3A_70 = arith.constant 160 : i32
    %add3A_71 = arith.addi %mul3A_18, %add3A_70 : i32
    "tpu.region"() ({
      %run_scoped3A = tpu.sem_alloc : memref<!tpu.dma_semaphore, #tpu.memory_space<semaphore_mem>>
      %dma_start3A = arith.constant 0 : i32
      %dma_start3A_82 = arith.constant 0 : i32
      %dma_start3A_83 = tpu.memref_slice %arg5[%arg0, %dma_start3A, %dma_start3A_82] : memref<2x10240x128xf32, #tpu.memory_space<hbm>> -> memref<1x10240x128xf32, #tpu.memory_space<hbm>>
      %dma_start3A_84 = tpu.memref_squeeze %dma_start3A_83 : memref<1x10240x128xf32, #tpu.memory_space<hbm>> -> memref<10240x128xf32, #tpu.memory_space<hbm>>
      %dma_start3A_85 = arith.constant 0 : i32
      %dma_start3A_86 = tpu.memref_slice %dma_start3A_84[%add3A_71, %dma_start3A_85] : memref<10240x128xf32, #tpu.memory_space<hbm>> -> memref<80x128xf32, #tpu.memory_space<hbm>>
      %dma_start3A_87 = arith.constant 0 : i32
      %dma_start3A_88 = tpu.memref_slice %arg12[%add3A_71, %dma_start3A_87] : memref<10240x128xf32, #tpu.memory_space<vmem_shared>> -> memref<80x128xf32, #tpu.memory_space<vmem_shared>>
      tpu.enqueue_dma source(%dma_start3A_88 : memref<80x128xf32, #tpu.memory_space<vmem_shared>>) target(%dma_start3A_86 : memref<80x128xf32, #tpu.memory_space<hbm>>) target_semaphore(%run_scoped3A : memref<!tpu.dma_semaphore, #tpu.memory_space<semaphore_mem>>)
      %dma_wait3A = arith.constant 0 : i32
      %dma_wait3A_89 = arith.constant 0 : i32
      %dma_wait3A_90 = tpu.memref_slice %arg5[%arg0, %dma_wait3A, %dma_wait3A_89] : memref<2x10240x128xf32, #tpu.memory_space<hbm>> -> memref<1x10240x128xf32, #tpu.memory_space<hbm>>
      %dma_wait3A_91 = tpu.memref_squeeze %dma_wait3A_90 : memref<1x10240x128xf32, #tpu.memory_space<hbm>> -> memref<10240x128xf32, #tpu.memory_space<hbm>>
      %dma_wait3A_92 = arith.constant 0 : i32
      %dma_wait3A_93 = tpu.memref_slice %dma_wait3A_91[%add3A_71, %dma_wait3A_92] : memref<10240x128xf32, #tpu.memory_space<hbm>> -> memref<80x128xf32, #tpu.memory_space<hbm>>
      %dma_wait3A_94 = arith.constant 0 : i32
      %dma_wait3A_95 = tpu.memref_slice %arg12[%add3A_71, %dma_wait3A_94] : memref<10240x128xf32, #tpu.memory_space<vmem_shared>> -> memref<80x128xf32, #tpu.memory_space<vmem_shared>>
      tpu.wait_dma2 semaphore(%run_scoped3A : memref<!tpu.dma_semaphore, #tpu.memory_space<semaphore_mem>>) src(%dma_wait3A_95 : memref<80x128xf32, #tpu.memory_space<vmem_shared>>) dst(%dma_wait3A_93 : memref<80x128xf32, #tpu.memory_space<hbm>>)
      tpu.yield
    }) : () -> ()
    "tpu.region"() ({
      %run_scoped3A = tpu.sem_alloc : memref<!tpu.dma_semaphore, #tpu.memory_space<semaphore_mem>>
      %dma_start3A = arith.constant 0 : i32
      %dma_start3A_82 = arith.constant 0 : i32
      %dma_start3A_83 = tpu.memref_slice %arg6[%arg0, %dma_start3A, %dma_start3A_82] : memref<2x10240x16xf32, #tpu.memory_space<hbm>> -> memref<1x10240x16xf32, #tpu.memory_space<hbm>>
      %dma_start3A_84 = tpu.memref_squeeze %dma_start3A_83 : memref<1x10240x16xf32, #tpu.memory_space<hbm>> -> memref<10240x16xf32, #tpu.memory_space<hbm>>
      %dma_start3A_85 = arith.constant 0 : i32
      %dma_start3A_86 = tpu.memref_slice %dma_start3A_84[%add3A_71, %dma_start3A_85] : memref<10240x16xf32, #tpu.memory_space<hbm>> -> memref<80x16xf32, #tpu.memory_space<hbm>>
      %dma_start3A_87 = arith.constant 0 : i32
      %dma_start3A_88 = tpu.memref_slice %arg13[%add3A_71, %dma_start3A_87] : memref<10240x16xf32, #tpu.memory_space<vmem_shared>> -> memref<80x16xf32, #tpu.memory_space<vmem_shared>>
      tpu.enqueue_dma source(%dma_start3A_88 : memref<80x16xf32, #tpu.memory_space<vmem_shared>>) target(%dma_start3A_86 : memref<80x16xf32, #tpu.memory_space<hbm>>) target_semaphore(%run_scoped3A : memref<!tpu.dma_semaphore, #tpu.memory_space<semaphore_mem>>)
      %dma_wait3A = arith.constant 0 : i32
      %dma_wait3A_89 = arith.constant 0 : i32
      %dma_wait3A_90 = tpu.memref_slice %arg6[%arg0, %dma_wait3A, %dma_wait3A_89] : memref<2x10240x16xf32, #tpu.memory_space<hbm>> -> memref<1x10240x16xf32, #tpu.memory_space<hbm>>
      %dma_wait3A_91 = tpu.memref_squeeze %dma_wait3A_90 : memref<1x10240x16xf32, #tpu.memory_space<hbm>> -> memref<10240x16xf32, #tpu.memory_space<hbm>>
      %dma_wait3A_92 = arith.constant 0 : i32
      %dma_wait3A_93 = tpu.memref_slice %dma_wait3A_91[%add3A_71, %dma_wait3A_92] : memref<10240x16xf32, #tpu.memory_space<hbm>> -> memref<80x16xf32, #tpu.memory_space<hbm>>
      %dma_wait3A_94 = arith.constant 0 : i32
      %dma_wait3A_95 = tpu.memref_slice %arg13[%add3A_71, %dma_wait3A_94] : memref<10240x16xf32, #tpu.memory_space<vmem_shared>> -> memref<80x16xf32, #tpu.memory_space<vmem_shared>>
      tpu.wait_dma2 semaphore(%run_scoped3A : memref<!tpu.dma_semaphore, #tpu.memory_space<semaphore_mem>>) src(%dma_wait3A_95 : memref<80x16xf32, #tpu.memory_space<vmem_shared>>) dst(%dma_wait3A_93 : memref<80x16xf32, #tpu.memory_space<hbm>>)
      tpu.yield
    }) : () -> ()
    %add3A_72 = arith.constant 240 : i32
    %add3A_73 = arith.addi %mul3A_18, %add3A_72 : i32
    "tpu.region"() ({
      %run_scoped3A = tpu.sem_alloc : memref<!tpu.dma_semaphore, #tpu.memory_space<semaphore_mem>>
      %dma_start3A = arith.constant 0 : i32
      %dma_start3A_82 = arith.constant 0 : i32
      %dma_start3A_83 = tpu.memref_slice %arg5[%arg0, %dma_start3A, %dma_start3A_82] : memref<2x10240x128xf32, #tpu.memory_space<hbm>> -> memref<1x10240x128xf32, #tpu.memory_space<hbm>>
      %dma_start3A_84 = tpu.memref_squeeze %dma_start3A_83 : memref<1x10240x128xf32, #tpu.memory_space<hbm>> -> memref<10240x128xf32, #tpu.memory_space<hbm>>
      %dma_start3A_85 = arith.constant 0 : i32
      %dma_start3A_86 = tpu.memref_slice %dma_start3A_84[%add3A_73, %dma_start3A_85] : memref<10240x128xf32, #tpu.memory_space<hbm>> -> memref<80x128xf32, #tpu.memory_space<hbm>>
      %dma_start3A_87 = arith.constant 0 : i32
      %dma_start3A_88 = tpu.memref_slice %arg12[%add3A_73, %dma_start3A_87] : memref<10240x128xf32, #tpu.memory_space<vmem_shared>> -> memref<80x128xf32, #tpu.memory_space<vmem_shared>>
      tpu.enqueue_dma source(%dma_start3A_88 : memref<80x128xf32, #tpu.memory_space<vmem_shared>>) target(%dma_start3A_86 : memref<80x128xf32, #tpu.memory_space<hbm>>) target_semaphore(%run_scoped3A : memref<!tpu.dma_semaphore, #tpu.memory_space<semaphore_mem>>)
      %dma_wait3A = arith.constant 0 : i32
      %dma_wait3A_89 = arith.constant 0 : i32
      %dma_wait3A_90 = tpu.memref_slice %arg5[%arg0, %dma_wait3A, %dma_wait3A_89] : memref<2x10240x128xf32, #tpu.memory_space<hbm>> -> memref<1x10240x128xf32, #tpu.memory_space<hbm>>
      %dma_wait3A_91 = tpu.memref_squeeze %dma_wait3A_90 : memref<1x10240x128xf32, #tpu.memory_space<hbm>> -> memref<10240x128xf32, #tpu.memory_space<hbm>>
      %dma_wait3A_92 = arith.constant 0 : i32
      %dma_wait3A_93 = tpu.memref_slice %dma_wait3A_91[%add3A_73, %dma_wait3A_92] : memref<10240x128xf32, #tpu.memory_space<hbm>> -> memref<80x128xf32, #tpu.memory_space<hbm>>
      %dma_wait3A_94 = arith.constant 0 : i32
      %dma_wait3A_95 = tpu.memref_slice %arg12[%add3A_73, %dma_wait3A_94] : memref<10240x128xf32, #tpu.memory_space<vmem_shared>> -> memref<80x128xf32, #tpu.memory_space<vmem_shared>>
      tpu.wait_dma2 semaphore(%run_scoped3A : memref<!tpu.dma_semaphore, #tpu.memory_space<semaphore_mem>>) src(%dma_wait3A_95 : memref<80x128xf32, #tpu.memory_space<vmem_shared>>) dst(%dma_wait3A_93 : memref<80x128xf32, #tpu.memory_space<hbm>>)
      tpu.yield
    }) : () -> ()
    "tpu.region"() ({
      %run_scoped3A = tpu.sem_alloc : memref<!tpu.dma_semaphore, #tpu.memory_space<semaphore_mem>>
      %dma_start3A = arith.constant 0 : i32
      %dma_start3A_82 = arith.constant 0 : i32
      %dma_start3A_83 = tpu.memref_slice %arg6[%arg0, %dma_start3A, %dma_start3A_82] : memref<2x10240x16xf32, #tpu.memory_space<hbm>> -> memref<1x10240x16xf32, #tpu.memory_space<hbm>>
      %dma_start3A_84 = tpu.memref_squeeze %dma_start3A_83 : memref<1x10240x16xf32, #tpu.memory_space<hbm>> -> memref<10240x16xf32, #tpu.memory_space<hbm>>
      %dma_start3A_85 = arith.constant 0 : i32
      %dma_start3A_86 = tpu.memref_slice %dma_start3A_84[%add3A_73, %dma_start3A_85] : memref<10240x16xf32, #tpu.memory_space<hbm>> -> memref<80x16xf32, #tpu.memory_space<hbm>>
      %dma_start3A_87 = arith.constant 0 : i32
      %dma_start3A_88 = tpu.memref_slice %arg13[%add3A_73, %dma_start3A_87] : memref<10240x16xf32, #tpu.memory_space<vmem_shared>> -> memref<80x16xf32, #tpu.memory_space<vmem_shared>>
      tpu.enqueue_dma source(%dma_start3A_88 : memref<80x16xf32, #tpu.memory_space<vmem_shared>>) target(%dma_start3A_86 : memref<80x16xf32, #tpu.memory_space<hbm>>) target_semaphore(%run_scoped3A : memref<!tpu.dma_semaphore, #tpu.memory_space<semaphore_mem>>)
      %dma_wait3A = arith.constant 0 : i32
      %dma_wait3A_89 = arith.constant 0 : i32
      %dma_wait3A_90 = tpu.memref_slice %arg6[%arg0, %dma_wait3A, %dma_wait3A_89] : memref<2x10240x16xf32, #tpu.memory_space<hbm>> -> memref<1x10240x16xf32, #tpu.memory_space<hbm>>
      %dma_wait3A_91 = tpu.memref_squeeze %dma_wait3A_90 : memref<1x10240x16xf32, #tpu.memory_space<hbm>> -> memref<10240x16xf32, #tpu.memory_space<hbm>>
      %dma_wait3A_92 = arith.constant 0 : i32
      %dma_wait3A_93 = tpu.memref_slice %dma_wait3A_91[%add3A_73, %dma_wait3A_92] : memref<10240x16xf32, #tpu.memory_space<hbm>> -> memref<80x16xf32, #tpu.memory_space<hbm>>
      %dma_wait3A_94 = arith.constant 0 : i32
      %dma_wait3A_95 = tpu.memref_slice %arg13[%add3A_73, %dma_wait3A_94] : memref<10240x16xf32, #tpu.memory_space<vmem_shared>> -> memref<80x16xf32, #tpu.memory_space<vmem_shared>>
      tpu.wait_dma2 semaphore(%run_scoped3A : memref<!tpu.dma_semaphore, #tpu.memory_space<semaphore_mem>>) src(%dma_wait3A_95 : memref<80x16xf32, #tpu.memory_space<vmem_shared>>) dst(%dma_wait3A_93 : memref<80x16xf32, #tpu.memory_space<hbm>>)
      tpu.yield
    }) : () -> ()
    %add3A_74 = arith.constant 320 : i32
    %add3A_75 = arith.addi %mul3A_18, %add3A_74 : i32
    "tpu.region"() ({
      %run_scoped3A = tpu.sem_alloc : memref<!tpu.dma_semaphore, #tpu.memory_space<semaphore_mem>>
      %dma_start3A = arith.constant 0 : i32
      %dma_start3A_82 = arith.constant 0 : i32
      %dma_start3A_83 = tpu.memref_slice %arg5[%arg0, %dma_start3A, %dma_start3A_82] : memref<2x10240x128xf32, #tpu.memory_space<hbm>> -> memref<1x10240x128xf32, #tpu.memory_space<hbm>>
      %dma_start3A_84 = tpu.memref_squeeze %dma_start3A_83 : memref<1x10240x128xf32, #tpu.memory_space<hbm>> -> memref<10240x128xf32, #tpu.memory_space<hbm>>
      %dma_start3A_85 = arith.constant 0 : i32
      %dma_start3A_86 = tpu.memref_slice %dma_start3A_84[%add3A_75, %dma_start3A_85] : memref<10240x128xf32, #tpu.memory_space<hbm>> -> memref<80x128xf32, #tpu.memory_space<hbm>>
      %dma_start3A_87 = arith.constant 0 : i32
      %dma_start3A_88 = tpu.memref_slice %arg12[%add3A_75, %dma_start3A_87] : memref<10240x128xf32, #tpu.memory_space<vmem_shared>> -> memref<80x128xf32, #tpu.memory_space<vmem_shared>>
      tpu.enqueue_dma source(%dma_start3A_88 : memref<80x128xf32, #tpu.memory_space<vmem_shared>>) target(%dma_start3A_86 : memref<80x128xf32, #tpu.memory_space<hbm>>) target_semaphore(%run_scoped3A : memref<!tpu.dma_semaphore, #tpu.memory_space<semaphore_mem>>)
      %dma_wait3A = arith.constant 0 : i32
      %dma_wait3A_89 = arith.constant 0 : i32
      %dma_wait3A_90 = tpu.memref_slice %arg5[%arg0, %dma_wait3A, %dma_wait3A_89] : memref<2x10240x128xf32, #tpu.memory_space<hbm>> -> memref<1x10240x128xf32, #tpu.memory_space<hbm>>
      %dma_wait3A_91 = tpu.memref_squeeze %dma_wait3A_90 : memref<1x10240x128xf32, #tpu.memory_space<hbm>> -> memref<10240x128xf32, #tpu.memory_space<hbm>>
      %dma_wait3A_92 = arith.constant 0 : i32
      %dma_wait3A_93 = tpu.memref_slice %dma_wait3A_91[%add3A_75, %dma_wait3A_92] : memref<10240x128xf32, #tpu.memory_space<hbm>> -> memref<80x128xf32, #tpu.memory_space<hbm>>
      %dma_wait3A_94 = arith.constant 0 : i32
      %dma_wait3A_95 = tpu.memref_slice %arg12[%add3A_75, %dma_wait3A_94] : memref<10240x128xf32, #tpu.memory_space<vmem_shared>> -> memref<80x128xf32, #tpu.memory_space<vmem_shared>>
      tpu.wait_dma2 semaphore(%run_scoped3A : memref<!tpu.dma_semaphore, #tpu.memory_space<semaphore_mem>>) src(%dma_wait3A_95 : memref<80x128xf32, #tpu.memory_space<vmem_shared>>) dst(%dma_wait3A_93 : memref<80x128xf32, #tpu.memory_space<hbm>>)
      tpu.yield
    }) : () -> ()
    "tpu.region"() ({
      %run_scoped3A = tpu.sem_alloc : memref<!tpu.dma_semaphore, #tpu.memory_space<semaphore_mem>>
      %dma_start3A = arith.constant 0 : i32
      %dma_start3A_82 = arith.constant 0 : i32
      %dma_start3A_83 = tpu.memref_slice %arg6[%arg0, %dma_start3A, %dma_start3A_82] : memref<2x10240x16xf32, #tpu.memory_space<hbm>> -> memref<1x10240x16xf32, #tpu.memory_space<hbm>>
      %dma_start3A_84 = tpu.memref_squeeze %dma_start3A_83 : memref<1x10240x16xf32, #tpu.memory_space<hbm>> -> memref<10240x16xf32, #tpu.memory_space<hbm>>
      %dma_start3A_85 = arith.constant 0 : i32
      %dma_start3A_86 = tpu.memref_slice %dma_start3A_84[%add3A_75, %dma_start3A_85] : memref<10240x16xf32, #tpu.memory_space<hbm>> -> memref<80x16xf32, #tpu.memory_space<hbm>>
      %dma_start3A_87 = arith.constant 0 : i32
      %dma_start3A_88 = tpu.memref_slice %arg13[%add3A_75, %dma_start3A_87] : memref<10240x16xf32, #tpu.memory_space<vmem_shared>> -> memref<80x16xf32, #tpu.memory_space<vmem_shared>>
      tpu.enqueue_dma source(%dma_start3A_88 : memref<80x16xf32, #tpu.memory_space<vmem_shared>>) target(%dma_start3A_86 : memref<80x16xf32, #tpu.memory_space<hbm>>) target_semaphore(%run_scoped3A : memref<!tpu.dma_semaphore, #tpu.memory_space<semaphore_mem>>)
      %dma_wait3A = arith.constant 0 : i32
      %dma_wait3A_89 = arith.constant 0 : i32
      %dma_wait3A_90 = tpu.memref_slice %arg6[%arg0, %dma_wait3A, %dma_wait3A_89] : memref<2x10240x16xf32, #tpu.memory_space<hbm>> -> memref<1x10240x16xf32, #tpu.memory_space<hbm>>
      %dma_wait3A_91 = tpu.memref_squeeze %dma_wait3A_90 : memref<1x10240x16xf32, #tpu.memory_space<hbm>> -> memref<10240x16xf32, #tpu.memory_space<hbm>>
      %dma_wait3A_92 = arith.constant 0 : i32
      %dma_wait3A_93 = tpu.memref_slice %dma_wait3A_91[%add3A_75, %dma_wait3A_92] : memref<10240x16xf32, #tpu.memory_space<hbm>> -> memref<80x16xf32, #tpu.memory_space<hbm>>
      %dma_wait3A_94 = arith.constant 0 : i32
      %dma_wait3A_95 = tpu.memref_slice %arg13[%add3A_75, %dma_wait3A_94] : memref<10240x16xf32, #tpu.memory_space<vmem_shared>> -> memref<80x16xf32, #tpu.memory_space<vmem_shared>>
      tpu.wait_dma2 semaphore(%run_scoped3A : memref<!tpu.dma_semaphore, #tpu.memory_space<semaphore_mem>>) src(%dma_wait3A_95 : memref<80x16xf32, #tpu.memory_space<vmem_shared>>) dst(%dma_wait3A_93 : memref<80x16xf32, #tpu.memory_space<hbm>>)
      tpu.yield
    }) : () -> ()
    %add3A_76 = arith.constant 400 : i32
    %add3A_77 = arith.addi %mul3A_18, %add3A_76 : i32
    "tpu.region"() ({
      %run_scoped3A = tpu.sem_alloc : memref<!tpu.dma_semaphore, #tpu.memory_space<semaphore_mem>>
      %dma_start3A = arith.constant 0 : i32
      %dma_start3A_82 = arith.constant 0 : i32
      %dma_start3A_83 = tpu.memref_slice %arg5[%arg0, %dma_start3A, %dma_start3A_82] : memref<2x10240x128xf32, #tpu.memory_space<hbm>> -> memref<1x10240x128xf32, #tpu.memory_space<hbm>>
      %dma_start3A_84 = tpu.memref_squeeze %dma_start3A_83 : memref<1x10240x128xf32, #tpu.memory_space<hbm>> -> memref<10240x128xf32, #tpu.memory_space<hbm>>
      %dma_start3A_85 = arith.constant 0 : i32
      %dma_start3A_86 = tpu.memref_slice %dma_start3A_84[%add3A_77, %dma_start3A_85] : memref<10240x128xf32, #tpu.memory_space<hbm>> -> memref<80x128xf32, #tpu.memory_space<hbm>>
      %dma_start3A_87 = arith.constant 0 : i32
      %dma_start3A_88 = tpu.memref_slice %arg12[%add3A_77, %dma_start3A_87] : memref<10240x128xf32, #tpu.memory_space<vmem_shared>> -> memref<80x128xf32, #tpu.memory_space<vmem_shared>>
      tpu.enqueue_dma source(%dma_start3A_88 : memref<80x128xf32, #tpu.memory_space<vmem_shared>>) target(%dma_start3A_86 : memref<80x128xf32, #tpu.memory_space<hbm>>) target_semaphore(%run_scoped3A : memref<!tpu.dma_semaphore, #tpu.memory_space<semaphore_mem>>)
      %dma_wait3A = arith.constant 0 : i32
      %dma_wait3A_89 = arith.constant 0 : i32
      %dma_wait3A_90 = tpu.memref_slice %arg5[%arg0, %dma_wait3A, %dma_wait3A_89] : memref<2x10240x128xf32, #tpu.memory_space<hbm>> -> memref<1x10240x128xf32, #tpu.memory_space<hbm>>
      %dma_wait3A_91 = tpu.memref_squeeze %dma_wait3A_90 : memref<1x10240x128xf32, #tpu.memory_space<hbm>> -> memref<10240x128xf32, #tpu.memory_space<hbm>>
      %dma_wait3A_92 = arith.constant 0 : i32
      %dma_wait3A_93 = tpu.memref_slice %dma_wait3A_91[%add3A_77, %dma_wait3A_92] : memref<10240x128xf32, #tpu.memory_space<hbm>> -> memref<80x128xf32, #tpu.memory_space<hbm>>
      %dma_wait3A_94 = arith.constant 0 : i32
      %dma_wait3A_95 = tpu.memref_slice %arg12[%add3A_77, %dma_wait3A_94] : memref<10240x128xf32, #tpu.memory_space<vmem_shared>> -> memref<80x128xf32, #tpu.memory_space<vmem_shared>>
      tpu.wait_dma2 semaphore(%run_scoped3A : memref<!tpu.dma_semaphore, #tpu.memory_space<semaphore_mem>>) src(%dma_wait3A_95 : memref<80x128xf32, #tpu.memory_space<vmem_shared>>) dst(%dma_wait3A_93 : memref<80x128xf32, #tpu.memory_space<hbm>>)
      tpu.yield
    }) : () -> ()
    "tpu.region"() ({
      %run_scoped3A = tpu.sem_alloc : memref<!tpu.dma_semaphore, #tpu.memory_space<semaphore_mem>>
      %dma_start3A = arith.constant 0 : i32
      %dma_start3A_82 = arith.constant 0 : i32
      %dma_start3A_83 = tpu.memref_slice %arg6[%arg0, %dma_start3A, %dma_start3A_82] : memref<2x10240x16xf32, #tpu.memory_space<hbm>> -> memref<1x10240x16xf32, #tpu.memory_space<hbm>>
      %dma_start3A_84 = tpu.memref_squeeze %dma_start3A_83 : memref<1x10240x16xf32, #tpu.memory_space<hbm>> -> memref<10240x16xf32, #tpu.memory_space<hbm>>
      %dma_start3A_85 = arith.constant 0 : i32
      %dma_start3A_86 = tpu.memref_slice %dma_start3A_84[%add3A_77, %dma_start3A_85] : memref<10240x16xf32, #tpu.memory_space<hbm>> -> memref<80x16xf32, #tpu.memory_space<hbm>>
      %dma_start3A_87 = arith.constant 0 : i32
      %dma_start3A_88 = tpu.memref_slice %arg13[%add3A_77, %dma_start3A_87] : memref<10240x16xf32, #tpu.memory_space<vmem_shared>> -> memref<80x16xf32, #tpu.memory_space<vmem_shared>>
      tpu.enqueue_dma source(%dma_start3A_88 : memref<80x16xf32, #tpu.memory_space<vmem_shared>>) target(%dma_start3A_86 : memref<80x16xf32, #tpu.memory_space<hbm>>) target_semaphore(%run_scoped3A : memref<!tpu.dma_semaphore, #tpu.memory_space<semaphore_mem>>)
      %dma_wait3A = arith.constant 0 : i32
      %dma_wait3A_89 = arith.constant 0 : i32
      %dma_wait3A_90 = tpu.memref_slice %arg6[%arg0, %dma_wait3A, %dma_wait3A_89] : memref<2x10240x16xf32, #tpu.memory_space<hbm>> -> memref<1x10240x16xf32, #tpu.memory_space<hbm>>
      %dma_wait3A_91 = tpu.memref_squeeze %dma_wait3A_90 : memref<1x10240x16xf32, #tpu.memory_space<hbm>> -> memref<10240x16xf32, #tpu.memory_space<hbm>>
      %dma_wait3A_92 = arith.constant 0 : i32
      %dma_wait3A_93 = tpu.memref_slice %dma_wait3A_91[%add3A_77, %dma_wait3A_92] : memref<10240x16xf32, #tpu.memory_space<hbm>> -> memref<80x16xf32, #tpu.memory_space<hbm>>
      %dma_wait3A_94 = arith.constant 0 : i32
      %dma_wait3A_95 = tpu.memref_slice %arg13[%add3A_77, %dma_wait3A_94] : memref<10240x16xf32, #tpu.memory_space<vmem_shared>> -> memref<80x16xf32, #tpu.memory_space<vmem_shared>>
      tpu.wait_dma2 semaphore(%run_scoped3A : memref<!tpu.dma_semaphore, #tpu.memory_space<semaphore_mem>>) src(%dma_wait3A_95 : memref<80x16xf32, #tpu.memory_space<vmem_shared>>) dst(%dma_wait3A_93 : memref<80x16xf32, #tpu.memory_space<hbm>>)
      tpu.yield
    }) : () -> ()
    %add3A_78 = arith.constant 480 : i32
    %add3A_79 = arith.addi %mul3A_18, %add3A_78 : i32
    "tpu.region"() ({
      %run_scoped3A = tpu.sem_alloc : memref<!tpu.dma_semaphore, #tpu.memory_space<semaphore_mem>>
      %dma_start3A = arith.constant 0 : i32
      %dma_start3A_82 = arith.constant 0 : i32
      %dma_start3A_83 = tpu.memref_slice %arg5[%arg0, %dma_start3A, %dma_start3A_82] : memref<2x10240x128xf32, #tpu.memory_space<hbm>> -> memref<1x10240x128xf32, #tpu.memory_space<hbm>>
      %dma_start3A_84 = tpu.memref_squeeze %dma_start3A_83 : memref<1x10240x128xf32, #tpu.memory_space<hbm>> -> memref<10240x128xf32, #tpu.memory_space<hbm>>
      %dma_start3A_85 = arith.constant 0 : i32
      %dma_start3A_86 = tpu.memref_slice %dma_start3A_84[%add3A_79, %dma_start3A_85] : memref<10240x128xf32, #tpu.memory_space<hbm>> -> memref<80x128xf32, #tpu.memory_space<hbm>>
      %dma_start3A_87 = arith.constant 0 : i32
      %dma_start3A_88 = tpu.memref_slice %arg12[%add3A_79, %dma_start3A_87] : memref<10240x128xf32, #tpu.memory_space<vmem_shared>> -> memref<80x128xf32, #tpu.memory_space<vmem_shared>>
      tpu.enqueue_dma source(%dma_start3A_88 : memref<80x128xf32, #tpu.memory_space<vmem_shared>>) target(%dma_start3A_86 : memref<80x128xf32, #tpu.memory_space<hbm>>) target_semaphore(%run_scoped3A : memref<!tpu.dma_semaphore, #tpu.memory_space<semaphore_mem>>)
      %dma_wait3A = arith.constant 0 : i32
      %dma_wait3A_89 = arith.constant 0 : i32
      %dma_wait3A_90 = tpu.memref_slice %arg5[%arg0, %dma_wait3A, %dma_wait3A_89] : memref<2x10240x128xf32, #tpu.memory_space<hbm>> -> memref<1x10240x128xf32, #tpu.memory_space<hbm>>
      %dma_wait3A_91 = tpu.memref_squeeze %dma_wait3A_90 : memref<1x10240x128xf32, #tpu.memory_space<hbm>> -> memref<10240x128xf32, #tpu.memory_space<hbm>>
      %dma_wait3A_92 = arith.constant 0 : i32
      %dma_wait3A_93 = tpu.memref_slice %dma_wait3A_91[%add3A_79, %dma_wait3A_92] : memref<10240x128xf32, #tpu.memory_space<hbm>> -> memref<80x128xf32, #tpu.memory_space<hbm>>
      %dma_wait3A_94 = arith.constant 0 : i32
      %dma_wait3A_95 = tpu.memref_slice %arg12[%add3A_79, %dma_wait3A_94] : memref<10240x128xf32, #tpu.memory_space<vmem_shared>> -> memref<80x128xf32, #tpu.memory_space<vmem_shared>>
      tpu.wait_dma2 semaphore(%run_scoped3A : memref<!tpu.dma_semaphore, #tpu.memory_space<semaphore_mem>>) src(%dma_wait3A_95 : memref<80x128xf32, #tpu.memory_space<vmem_shared>>) dst(%dma_wait3A_93 : memref<80x128xf32, #tpu.memory_space<hbm>>)
      tpu.yield
    }) : () -> ()
    "tpu.region"() ({
      %run_scoped3A = tpu.sem_alloc : memref<!tpu.dma_semaphore, #tpu.memory_space<semaphore_mem>>
      %dma_start3A = arith.constant 0 : i32
      %dma_start3A_82 = arith.constant 0 : i32
      %dma_start3A_83 = tpu.memref_slice %arg6[%arg0, %dma_start3A, %dma_start3A_82] : memref<2x10240x16xf32, #tpu.memory_space<hbm>> -> memref<1x10240x16xf32, #tpu.memory_space<hbm>>
      %dma_start3A_84 = tpu.memref_squeeze %dma_start3A_83 : memref<1x10240x16xf32, #tpu.memory_space<hbm>> -> memref<10240x16xf32, #tpu.memory_space<hbm>>
      %dma_start3A_85 = arith.constant 0 : i32
      %dma_start3A_86 = tpu.memref_slice %dma_start3A_84[%add3A_79, %dma_start3A_85] : memref<10240x16xf32, #tpu.memory_space<hbm>> -> memref<80x16xf32, #tpu.memory_space<hbm>>
      %dma_start3A_87 = arith.constant 0 : i32
      %dma_start3A_88 = tpu.memref_slice %arg13[%add3A_79, %dma_start3A_87] : memref<10240x16xf32, #tpu.memory_space<vmem_shared>> -> memref<80x16xf32, #tpu.memory_space<vmem_shared>>
      tpu.enqueue_dma source(%dma_start3A_88 : memref<80x16xf32, #tpu.memory_space<vmem_shared>>) target(%dma_start3A_86 : memref<80x16xf32, #tpu.memory_space<hbm>>) target_semaphore(%run_scoped3A : memref<!tpu.dma_semaphore, #tpu.memory_space<semaphore_mem>>)
      %dma_wait3A = arith.constant 0 : i32
      %dma_wait3A_89 = arith.constant 0 : i32
      %dma_wait3A_90 = tpu.memref_slice %arg6[%arg0, %dma_wait3A, %dma_wait3A_89] : memref<2x10240x16xf32, #tpu.memory_space<hbm>> -> memref<1x10240x16xf32, #tpu.memory_space<hbm>>
      %dma_wait3A_91 = tpu.memref_squeeze %dma_wait3A_90 : memref<1x10240x16xf32, #tpu.memory_space<hbm>> -> memref<10240x16xf32, #tpu.memory_space<hbm>>
      %dma_wait3A_92 = arith.constant 0 : i32
      %dma_wait3A_93 = tpu.memref_slice %dma_wait3A_91[%add3A_79, %dma_wait3A_92] : memref<10240x16xf32, #tpu.memory_space<hbm>> -> memref<80x16xf32, #tpu.memory_space<hbm>>
      %dma_wait3A_94 = arith.constant 0 : i32
      %dma_wait3A_95 = tpu.memref_slice %arg13[%add3A_79, %dma_wait3A_94] : memref<10240x16xf32, #tpu.memory_space<vmem_shared>> -> memref<80x16xf32, #tpu.memory_space<vmem_shared>>
      tpu.wait_dma2 semaphore(%run_scoped3A : memref<!tpu.dma_semaphore, #tpu.memory_space<semaphore_mem>>) src(%dma_wait3A_95 : memref<80x16xf32, #tpu.memory_space<vmem_shared>>) dst(%dma_wait3A_93 : memref<80x16xf32, #tpu.memory_space<hbm>>)
      tpu.yield
    }) : () -> ()
    %add3A_80 = arith.constant 560 : i32
    %add3A_81 = arith.addi %mul3A_18, %add3A_80 : i32
    "tpu.region"() ({
      %run_scoped3A = tpu.sem_alloc : memref<!tpu.dma_semaphore, #tpu.memory_space<semaphore_mem>>
      %dma_start3A = arith.constant 0 : i32
      %dma_start3A_82 = arith.constant 0 : i32
      %dma_start3A_83 = tpu.memref_slice %arg5[%arg0, %dma_start3A, %dma_start3A_82] : memref<2x10240x128xf32, #tpu.memory_space<hbm>> -> memref<1x10240x128xf32, #tpu.memory_space<hbm>>
      %dma_start3A_84 = tpu.memref_squeeze %dma_start3A_83 : memref<1x10240x128xf32, #tpu.memory_space<hbm>> -> memref<10240x128xf32, #tpu.memory_space<hbm>>
      %dma_start3A_85 = arith.constant 0 : i32
      %dma_start3A_86 = tpu.memref_slice %dma_start3A_84[%add3A_81, %dma_start3A_85] : memref<10240x128xf32, #tpu.memory_space<hbm>> -> memref<80x128xf32, #tpu.memory_space<hbm>>
      %dma_start3A_87 = arith.constant 0 : i32
      %dma_start3A_88 = tpu.memref_slice %arg12[%add3A_81, %dma_start3A_87] : memref<10240x128xf32, #tpu.memory_space<vmem_shared>> -> memref<80x128xf32, #tpu.memory_space<vmem_shared>>
      tpu.enqueue_dma source(%dma_start3A_88 : memref<80x128xf32, #tpu.memory_space<vmem_shared>>) target(%dma_start3A_86 : memref<80x128xf32, #tpu.memory_space<hbm>>) target_semaphore(%run_scoped3A : memref<!tpu.dma_semaphore, #tpu.memory_space<semaphore_mem>>)
      %dma_wait3A = arith.constant 0 : i32
      %dma_wait3A_89 = arith.constant 0 : i32
      %dma_wait3A_90 = tpu.memref_slice %arg5[%arg0, %dma_wait3A, %dma_wait3A_89] : memref<2x10240x128xf32, #tpu.memory_space<hbm>> -> memref<1x10240x128xf32, #tpu.memory_space<hbm>>
      %dma_wait3A_91 = tpu.memref_squeeze %dma_wait3A_90 : memref<1x10240x128xf32, #tpu.memory_space<hbm>> -> memref<10240x128xf32, #tpu.memory_space<hbm>>
      %dma_wait3A_92 = arith.constant 0 : i32
      %dma_wait3A_93 = tpu.memref_slice %dma_wait3A_91[%add3A_81, %dma_wait3A_92] : memref<10240x128xf32, #tpu.memory_space<hbm>> -> memref<80x128xf32, #tpu.memory_space<hbm>>
      %dma_wait3A_94 = arith.constant 0 : i32
      %dma_wait3A_95 = tpu.memref_slice %arg12[%add3A_81, %dma_wait3A_94] : memref<10240x128xf32, #tpu.memory_space<vmem_shared>> -> memref<80x128xf32, #tpu.memory_space<vmem_shared>>
      tpu.wait_dma2 semaphore(%run_scoped3A : memref<!tpu.dma_semaphore, #tpu.memory_space<semaphore_mem>>) src(%dma_wait3A_95 : memref<80x128xf32, #tpu.memory_space<vmem_shared>>) dst(%dma_wait3A_93 : memref<80x128xf32, #tpu.memory_space<hbm>>)
      tpu.yield
    }) : () -> ()
    "tpu.region"() ({
      %run_scoped3A = tpu.sem_alloc : memref<!tpu.dma_semaphore, #tpu.memory_space<semaphore_mem>>
      %dma_start3A = arith.constant 0 : i32
      %dma_start3A_82 = arith.constant 0 : i32
      %dma_start3A_83 = tpu.memref_slice %arg6[%arg0, %dma_start3A, %dma_start3A_82] : memref<2x10240x16xf32, #tpu.memory_space<hbm>> -> memref<1x10240x16xf32, #tpu.memory_space<hbm>>
      %dma_start3A_84 = tpu.memref_squeeze %dma_start3A_83 : memref<1x10240x16xf32, #tpu.memory_space<hbm>> -> memref<10240x16xf32, #tpu.memory_space<hbm>>
      %dma_start3A_85 = arith.constant 0 : i32
      %dma_start3A_86 = tpu.memref_slice %dma_start3A_84[%add3A_81, %dma_start3A_85] : memref<10240x16xf32, #tpu.memory_space<hbm>> -> memref<80x16xf32, #tpu.memory_space<hbm>>
      %dma_start3A_87 = arith.constant 0 : i32
      %dma_start3A_88 = tpu.memref_slice %arg13[%add3A_81, %dma_start3A_87] : memref<10240x16xf32, #tpu.memory_space<vmem_shared>> -> memref<80x16xf32, #tpu.memory_space<vmem_shared>>
      tpu.enqueue_dma source(%dma_start3A_88 : memref<80x16xf32, #tpu.memory_space<vmem_shared>>) target(%dma_start3A_86 : memref<80x16xf32, #tpu.memory_space<hbm>>) target_semaphore(%run_scoped3A : memref<!tpu.dma_semaphore, #tpu.memory_space<semaphore_mem>>)
      %dma_wait3A = arith.constant 0 : i32
      %dma_wait3A_89 = arith.constant 0 : i32
      %dma_wait3A_90 = tpu.memref_slice %arg6[%arg0, %dma_wait3A, %dma_wait3A_89] : memref<2x10240x16xf32, #tpu.memory_space<hbm>> -> memref<1x10240x16xf32, #tpu.memory_space<hbm>>
      %dma_wait3A_91 = tpu.memref_squeeze %dma_wait3A_90 : memref<1x10240x16xf32, #tpu.memory_space<hbm>> -> memref<10240x16xf32, #tpu.memory_space<hbm>>
      %dma_wait3A_92 = arith.constant 0 : i32
      %dma_wait3A_93 = tpu.memref_slice %dma_wait3A_91[%add3A_81, %dma_wait3A_92] : memref<10240x16xf32, #tpu.memory_space<hbm>> -> memref<80x16xf32, #tpu.memory_space<hbm>>
      %dma_wait3A_94 = arith.constant 0 : i32
      %dma_wait3A_95 = tpu.memref_slice %arg13[%add3A_81, %dma_wait3A_94] : memref<10240x16xf32, #tpu.memory_space<vmem_shared>> -> memref<80x16xf32, #tpu.memory_space<vmem_shared>>
      tpu.wait_dma2 semaphore(%run_scoped3A : memref<!tpu.dma_semaphore, #tpu.memory_space<semaphore_mem>>) src(%dma_wait3A_95 : memref<80x16xf32, #tpu.memory_space<vmem_shared>>) dst(%dma_wait3A_93 : memref<80x16xf32, #tpu.memory_space<hbm>>)
      tpu.yield
    }) : () -> ()
    return
  }
}

module attributes {stable_mosaic.version = 14 : i64} {
  func.func @_mlp_body(%arg0: i32, %arg1: memref<1000x128xf32, #tpu.memory_space<vmem>>, %arg2: memref<2x1000x128xf32, #tpu.memory_space<vmem>>, %arg3: memref<2x1000x16xf32, #tpu.memory_space<vmem>>, %arg4: memref<128x128xf32, #tpu.memory_space<vmem>>, %arg5: memref<128x128xf32, #tpu.memory_space<vmem>>, %arg6: memref<1x128xf32, #tpu.memory_space<vmem>>, %arg7: memref<128x128xf32, #tpu.memory_space<vmem>>, %arg8: memref<1x128xf32, #tpu.memory_space<vmem>>, %arg9: memref<1000x128xf32, #tpu.memory_space<vmem>>) attributes {dimension_semantics = [#tpu.dimension_semantics<arbitrary>], iteration_bounds = array<i64: 10>, scalar_prefetch = 0 : i64, scratch_operands = 0 : i64, tpu.core_type = #tpu.core_type<tc>, window_params = [{transform_indices = @transform_0, window_bounds = array<i64: 1000, 128>}, {transform_indices = @transform_1, window_bounds = array<i64: 2, 1000, 128>}, {transform_indices = @transform_2, window_bounds = array<i64: 2, 1000, 16>}, {pipeline_mode = #tpu.pipeline_mode<synchronous>, transform_indices = @transform_3, window_bounds = array<i64: 128, 128>}, {pipeline_mode = #tpu.pipeline_mode<synchronous>, transform_indices = @transform_4, window_bounds = array<i64: 128, 128>}, {pipeline_mode = #tpu.pipeline_mode<synchronous>, transform_indices = @transform_5, window_bounds = array<i64: 1, 128>}, {pipeline_mode = #tpu.pipeline_mode<synchronous>, transform_indices = @transform_6, window_bounds = array<i64: 128, 128>}, {pipeline_mode = #tpu.pipeline_mode<synchronous>, transform_indices = @transform_7, window_bounds = array<i64: 1, 128>}, {transform_indices = @transform_8, window_bounds = array<i64: 1000, 128>}]} {
    %get3A = arith.constant 0 : index
    %get3A_0 = arith.constant 0 : index
    %get3A_1 = arith.constant 0 : index
    %get3A_2 = vector.load %arg2[%get3A, %get3A_0, %get3A_1] : memref<2x1000x128xf32, #tpu.memory_space<vmem>>, vector<1x1000x128xf32>
    %get3A_3 = vector.shape_cast %get3A_2 : vector<1x1000x128xf32> to vector<1000x128xf32>
    %get3A_4 = arith.constant 1 : index
    %get3A_5 = arith.constant 0 : index
    %get3A_6 = arith.constant 0 : index
    %get3A_7 = vector.load %arg2[%get3A_4, %get3A_5, %get3A_6] : memref<2x1000x128xf32, #tpu.memory_space<vmem>>, vector<1x1000x128xf32>
    %get3A_8 = vector.shape_cast %get3A_7 : vector<1x1000x128xf32> to vector<1000x128xf32>
    %add3A = arith.addf %get3A_3, %get3A_8 : vector<1000x128xf32>
    %get3A_9 = arith.constant 0 : index
    %get3A_10 = arith.constant 0 : index
    %get3A_11 = arith.constant 0 : index
    %get3A_12 = vector.load %arg3[%get3A_9, %get3A_10, %get3A_11] : memref<2x1000x16xf32, #tpu.memory_space<vmem>>, vector<1x1000x1xf32>
    %get3A_13 = vector.shape_cast %get3A_12 : vector<1x1000x1xf32> to vector<1000x1xf32>
    %get3A_14 = arith.constant 1 : index
    %get3A_15 = arith.constant 0 : index
    %get3A_16 = arith.constant 0 : index
    %get3A_17 = vector.load %arg3[%get3A_14, %get3A_15, %get3A_16] : memref<2x1000x16xf32, #tpu.memory_space<vmem>>, vector<1x1000x1xf32>
    %get3A_18 = vector.shape_cast %get3A_17 : vector<1x1000x1xf32> to vector<1000x1xf32>
    %add3A_19 = arith.addf %get3A_13, %get3A_18 : vector<1000x1xf32>
    %add3A_20 = arith.constant 9.99999993E-9 : f32
    %add3A_21 = vector.broadcast %add3A_20 : f32 to vector<1000x1xf32>
    %add3A_22 = arith.addf %add3A_19, %add3A_21 : vector<1000x1xf32>
    %div3A = vector.broadcast %add3A_22 : vector<1000x1xf32> to vector<1000x128xf32>
    %div3A_23 = arith.divf %add3A, %div3A : vector<1000x128xf32>
    %get3A_24 = arith.constant 0 : index
    %get3A_25 = arith.constant 0 : index
    %get3A_26 = vector.load %arg1[%get3A_24, %get3A_25] : memref<1000x128xf32, #tpu.memory_space<vmem>>, vector<1000x128xf32>
    %get3A_27 = arith.constant 0 : index
    %get3A_28 = arith.constant 0 : index
    %get3A_29 = vector.load %arg4[%get3A_27, %get3A_28] : memref<128x128xf32, #tpu.memory_space<vmem>>, vector<128x128xf32>
    %dot_general3A = arith.constant dense<0.000000e+00> : vector<1000x128xf32>
    %dot_general3A_30 = tpu.matmul %get3A_26, %get3A_29, %dot_general3A {dimension_numbers = #tpu.dot_dimension_numbers<[1], [0], [0], [1], [0, 0, 1, 1], [], []>, transpose_lhs_hint = false} : vector<1000x128xf32>, vector<128x128xf32>, vector<1000x128xf32> -> vector<1000x128xf32>
    %get3A_31 = arith.constant 0 : index
    %get3A_32 = arith.constant 0 : index
    %get3A_33 = vector.load %arg5[%get3A_31, %get3A_32] : memref<128x128xf32, #tpu.memory_space<vmem>>, vector<128x128xf32>
    %dot_general3A_34 = arith.constant dense<0.000000e+00> : vector<1000x128xf32>
    %dot_general3A_35 = tpu.matmul %div3A_23, %get3A_33, %dot_general3A_34 {dimension_numbers = #tpu.dot_dimension_numbers<[1], [0], [0], [1], [0, 0, 1, 1], [], []>, transpose_lhs_hint = false} : vector<1000x128xf32>, vector<128x128xf32>, vector<1000x128xf32> -> vector<1000x128xf32>
    %add3A_36 = arith.addf %dot_general3A_30, %dot_general3A_35 : vector<1000x128xf32>
    %get3A_37 = arith.constant 0 : index
    %get3A_38 = arith.constant 0 : index
    %get3A_39 = vector.load %arg6[%get3A_37, %get3A_38] : memref<1x128xf32, #tpu.memory_space<vmem>>, vector<1x128xf32>
    %add3A_40 = vector.broadcast %get3A_39 : vector<1x128xf32> to vector<1000x128xf32>
    %add3A_41 = arith.addf %add3A_36, %add3A_40 : vector<1000x128xf32>
    %tanh3A = math.tanh %add3A_41 : vector<1000x128xf32>
    %get3A_42 = arith.constant 0 : index
    %get3A_43 = arith.constant 0 : index
    %get3A_44 = vector.load %arg7[%get3A_42, %get3A_43] : memref<128x128xf32, #tpu.memory_space<vmem>>, vector<128x128xf32>
    %dot_general3A_45 = arith.constant dense<0.000000e+00> : vector<1000x128xf32>
    %dot_general3A_46 = tpu.matmul %tanh3A, %get3A_44, %dot_general3A_45 {dimension_numbers = #tpu.dot_dimension_numbers<[1], [0], [0], [1], [0, 0, 1, 1], [], []>, transpose_lhs_hint = false} : vector<1000x128xf32>, vector<128x128xf32>, vector<1000x128xf32> -> vector<1000x128xf32>
    %get3A_47 = arith.constant 0 : index
    %get3A_48 = arith.constant 0 : index
    %get3A_49 = vector.load %arg8[%get3A_47, %get3A_48] : memref<1x128xf32, #tpu.memory_space<vmem>>, vector<1x128xf32>
    %add3A_50 = vector.broadcast %get3A_49 : vector<1x128xf32> to vector<1000x128xf32>
    %add3A_51 = arith.addf %dot_general3A_46, %add3A_50 : vector<1000x128xf32>
    %swap3A = arith.constant 0 : index
    %swap3A_52 = arith.constant 0 : index
    %swap3A_53 = vector.load %arg9[%swap3A, %swap3A_52] : memref<1000x128xf32, #tpu.memory_space<vmem>>, vector<1000x128xf32>
    tpu.vector_store %arg9[%swap3A, %swap3A_52], %add3A_51 {strides = array<i32>} : memref<1000x128xf32, #tpu.memory_space<vmem>>, vector<1000x128xf32>,
    return
  }
  func.func @transform_0(%arg0: i32) -> (i32, i32) {
    %c0_i32 = arith.constant 0 : i32
    %c0_i32_0 = arith.constant 0 : i32
    return %arg0, %c0_i32 : i32, i32
  }
  func.func @transform_1(%arg0: i32) -> (i32, i32, i32) {
    %c0_i32 = arith.constant 0 : i32
    %c0_i32_0 = arith.constant 0 : i32
    %c0_i32_1 = arith.constant 0 : i32
    return %c0_i32, %arg0, %c0_i32_0 : i32, i32, i32
  }
  func.func @transform_2(%arg0: i32) -> (i32, i32, i32) {
    %c0_i32 = arith.constant 0 : i32
    %c0_i32_0 = arith.constant 0 : i32
    %c0_i32_1 = arith.constant 0 : i32
    return %c0_i32, %arg0, %c0_i32_0 : i32, i32, i32
  }
  func.func @transform_3(%arg0: i32) -> (i32, i32) {
    %c0_i32 = arith.constant 0 : i32
    %c0_i32_0 = arith.constant 0 : i32
    %c0_i32_1 = arith.constant 0 : i32
    return %c0_i32, %c0_i32_0 : i32, i32
  }
  func.func @transform_4(%arg0: i32) -> (i32, i32) {
    %c0_i32 = arith.constant 0 : i32
    %c0_i32_0 = arith.constant 0 : i32
    %c0_i32_1 = arith.constant 0 : i32
    return %c0_i32, %c0_i32_0 : i32, i32
  }
  func.func @transform_5(%arg0: i32) -> (i32, i32) {
    %c0_i32 = arith.constant 0 : i32
    %c0_i32_0 = arith.constant 0 : i32
    %c0_i32_1 = arith.constant 0 : i32
    return %c0_i32, %c0_i32_0 : i32, i32
  }
  func.func @transform_6(%arg0: i32) -> (i32, i32) {
    %c0_i32 = arith.constant 0 : i32
    %c0_i32_0 = arith.constant 0 : i32
    %c0_i32_1 = arith.constant 0 : i32
    return %c0_i32, %c0_i32_0 : i32, i32
  }
  func.func @transform_7(%arg0: i32) -> (i32, i32) {
    %c0_i32 = arith.constant 0 : i32
    %c0_i32_0 = arith.constant 0 : i32
    %c0_i32_1 = arith.constant 0 : i32
    return %c0_i32, %c0_i32_0 : i32, i32
  }
  func.func @transform_8(%arg0: i32) -> (i32, i32) {
    %c0_i32 = arith.constant 0 : i32
    %c0_i32_0 = arith.constant 0 : i32
    return %arg0, %c0_i32 : i32, i32
  }
}

</mosaic_0001>

<sc_bundles>
// kernel: kernel.4.cloned.1.call-start
scs
__scs_entry_jumppad:
0x0: {  	(pc) =	sbr.rel $0x88, $3  }
0x1: {  	(tag) =	ssettag $0x0;
	lr =	simm.s32 $0x1  }
0x2: {  	[smem:$0x3F9A] =	sst lr;
	_ =	strace $0xD0000000  }
0x3: {  	_ = 	snop  }
0x4: {  	_ = 	snop  }
0x5: {  	_ = 	snop  }
0x6: {  	_ = 	snop  }
0x7: {  	_ = 	snop  }
__scs_overlays_trampoline_lowered:
0x8: {  	[smem:$0x3FA9] =	sst s0  }
0x9: {  	[smem:$0x3FAA] =	sst s1  }
0xa: {  	[smem:$0x3FAB] =	sst s2  }
0xb: {  	[smem:$0x3FAC] =	sst s3  }
0xc: {  	[smem:$0x3FAD] =	sst s4  }
0xd: {  	[smem:$0x3FAE] =	sst s5  }
0xe: {  	[smem:$0x3FAF] =	sst s6  }
0xf: {  	[smem:$0x3FB0] =	sst s7  }
0x10: {  	[smem:$0x3FB1] =	sst s8  }
0x11: {  	[smem:$0x3FB2] =	sst s9;
	s0 =	simm.s32 @!p0 $0x0  }
0x12: {  	s1 =	sld [smem:$0x3F98];
	s0 =	simm.s32 @p0 $0x1  }
0x13: {  	[smem:$0x3FB3] =	sst s0;
	s0 =	simm.s32 @!p1 $0x0  }
0x14: {  	s2 =	sld [smem:$0x3F97];
	s0 =	simm.s32 @p1 $0x1  }
0x15: {  	[smem:$0x3FB4] =	sst s0;
	s0 =	simm.s32 @!p2 $0x0  }
0x16: {  	s3 =	sld [smem:$0x3FDB];
	s0 =	simm.s32 @p2 $0x1  }
0x17: {  	s4 =	simm.s32 $0x1BF5;
	[smem:$0x3FB6] =	sst s0  }
0x18: {  	s0 =	sld [smem:$0x3F99];
	_ =	swait.ge [sflag:s4], $0x0  }
0x19: {  	s7 =	sld [smem:$0x3F9A]  }
0x1a: {  	s8 =	sadd.s32 $0xFFFFE003, lr  }
0x1b: {  	s9 =	sadd.s32 $0xFFFFFEF7, lr;
	s5 =	simm.s32 $0xFFFFFFFF;
	p2 =	slt.u32 s8, $0xFFFFF086  }
0x1c: {  	p1 =	slt.u32 s9, $0xF7A;
	s5 =	simm.s32 @!p2 $0x0  }
0x1d: {  	s5 =	simm.s32 @p1 $0x1;
	p0 =	seq.s32 s7, s2  }
0x1e: {  	s7 =	smul.u32 @!p0 $0xF7A, s2;
	p2 =	seq.s32 @!p0 s5, $0x0  }
0x1f: {  	s9 =	smul.u32 $0xF7A, s1;
	s8 =	simm.s32 @!p0 $0x1BF5;
	p2 =	por !p2, p0  }
0x20: {  	[sflag:s8] =	ssyncset.s32 @!p0 $0xFFFFF086;
	s6 =	sadd.s32 @!p0 s3, s7;
	s7 =	simm.s32 @!p0 $0x108  }
0x21: {  	s3 =	sadd.s32 s3, s9;
	s6 =	sadd.s32 @!p0 $0x88, s6;
	s7 =	simm.s32 @p2 $0x1082  }
0x22: {  	[simem:s7], [sflag:s8] =	dma.local @!p0 [hbm:s6], $0xF7A  }
0x23: {  	s9 =	sor.u32 $0xD0000000, s2;
	s6 =	simm.s32 $0x108;
	_ =	swait.ge @!p0 [sflag:s8], $0x0  }
0x24: {  	s3 =	sadd.s32 $0x88, s3;
	s6 =	simm.s32 @!p1 $0x1082;
	[sflag:s4] =	ssyncset.s32 $0xFFFFF086  }
0x25: {  	[simem:s6], [sflag:s4] =	dma.local [hbm:s3], $0xF7A  }
0x26: {  	[smem:$0x3F9A] =	sst s1;
	(tag) =	ssettag s2;
	_ =	strace s9  }
0x27: {  	s1 =	sld [smem:$0x3FAA]  }
0x28: {  	s2 =	sld [smem:$0x3FAB]  }
0x29: {  	s4 =	sld [smem:$0x3FAD]  }
0x2a: {  	p0 =	seq.s32 s5, $0x0;
	s5 =	sld [smem:$0x3FAE]  }
0x2b: {  	s6 =	sld [smem:$0x3FAF]  }
0x2c: {  	s7 =	sld [smem:$0x3FB0]  }
0x2d: {  	s3 =	simm.s32 $0x108;
	s8 =	sld [smem:$0x3FB1]  }
0x2e: {  	s3 =	simm.s32 @!p0 $0x1082;
	s9 =	sld [smem:$0x3FB2]  }
0x2f: {  	lr =	sadd.s32 s0, s3;
	s0 =	sld [smem:$0x3FA9]  }
0x30: {  	s3 =	sld [smem:$0x3FAC]  }
0x31: {  	[smem:$0x3FB5] =	sst s10  }
0x32: {  	s10 =	sld [smem:$0x3FB3];
	_ =	sdelay $0x3  }
0x33: {  	p0 =	seq.s32 s10, $0x1;
	s10 =	sld [smem:$0x3FB5];
	_ =	sdelay $0x3  }
0x34: {  	[smem:$0x3FB5] =	sst s10  }
0x35: {  	s10 =	sld [smem:$0x3FB4];
	_ =	sdelay $0x3  }
0x36: {  	p1 =	seq.s32 s10, $0x1;
	s10 =	sld [smem:$0x3FB5];
	_ =	sdelay $0x3  }
0x37: {  	[smem:$0x3FB5] =	sst s10  }
0x38: {  	s10 =	sld [smem:$0x3FB6]  }
0x39: {  	_ = 	snop;
	(pc) =	sbr.ind lr, $3  }
0x3a: {  	_ = 	snop  }
0x3b: {  	_ = 	snop  }
0x3c: {  	p2 =	seq.s32 s10, $0x1;
	s10 =	sld [smem:$0x3FB5]  }
0x3d: {  	_ =	shalt  }
0x3e: {  	_ =	shalt  }
0x3f: {  	_ =	shalt  }
0x40: {  	_ =	shalt  }
0x41: {  	_ =	shalt  }
0x42: {  	_ =	shalt  }
0x43: {  	_ =	shalt  }
0x44: {  	_ =	shalt  }
0x45: {  	_ =	shalt  }
0x46: {  	_ =	shalt  }
0x47: {  	_ =	shalt  }
0x48: {  	_ =	shalt  }
0x49: {  	_ =	shalt  }
0x4a: {  	_ =	shalt  }
0x4b: {  	_ =	shalt  }
0x4c: {  	_ =	shalt  }
0x4d: {  	_ =	shalt  }
0x4e: {  	_ =	shalt  }
0x4f: {  	_ =	shalt  }
0x50: {  	_ =	shalt  }
0x51: {  	_ =	shalt  }
0x52: {  	_ =	shalt  }
0x53: {  	_ =	shalt  }
0x54: {  	_ =	shalt  }
0x55: {  	_ =	shalt  }
0x56: {  	_ =	shalt  }
0x57: {  	_ =	shalt  }
0x58: {  	_ =	shalt  }
0x59: {  	_ =	shalt  }
0x5a: {  	_ =	shalt  }
0x5b: {  	_ =	shalt  }
0x5c: {  	_ =	shalt  }
0x5d: {  	_ =	shalt  }
0x5e: {  	_ =	shalt  }
0x5f: {  	_ =	shalt  }
0x60: {  	_ =	shalt  }
0x61: {  	_ =	shalt  }
0x62: {  	_ =	shalt  }
0x63: {  	_ =	shalt  }
0x64: {  	_ =	shalt  }
0x65: {  	_ =	shalt  }
0x66: {  	_ =	shalt  }
0x67: {  	_ =	shalt  }
0x68: {  	_ =	shalt  }
0x69: {  	_ =	shalt  }
0x6a: {  	_ =	shalt  }
0x6b: {  	_ =	shalt  }
0x6c: {  	_ =	shalt  }
0x6d: {  	_ =	shalt  }
0x6e: {  	_ =	shalt  }
0x6f: {  	_ =	shalt  }
0x70: {  	_ =	shalt  }
0x71: {  	_ =	shalt  }
0x72: {  	_ =	shalt  }
0x73: {  	_ =	shalt  }
0x74: {  	_ =	shalt  }
0x75: {  	_ =	shalt  }
0x76: {  	_ =	shalt  }
0x77: {  	_ =	shalt  }
0x78: {  	_ =	shalt  }
0x79: {  	_ =	shalt  }
0x7a: {  	_ =	shalt  }
0x7b: {  	_ =	shalt  }
0x7c: {  	_ =	shalt  }
0x7d: {  	_ =	shalt  }
0x7e: {  	_ =	shalt  }
0x7f: {  	_ =	shalt  }
0x80: {  	_ =	shalt  }
0x81: {  	_ =	shalt  }
0x82: {  	_ =	shalt  }
0x83: {  	_ =	shalt  }
0x84: {  	_ =	shalt  }
0x85: {  	_ =	shalt  }
0x86: {  	_ =	shalt  }
0x87: {  	_ =	shalt  }
.Lfunc_end0:
.L_simem_size_0:
called_computation_lowered:
.L_overlay_start_0:
0x88: {  	s2 =	sld [smem:$0x3FD9]  }
0x89: {  	s3 =	sld [smem:$0x3FFE];
	_ =	sdelay $0x1  }
0x8a: {  	s1 =	srdreg.scid  }
0x8b: {  	s0 =	sand.u32 $0x1, s1  }
0x8c: {  	s17 =	sshll.u32 s0, $0xA;
	s2 =	sadd.s32 s3, s2  }
0x8d: {  	s2 =	sadd.s32 s2, s17  }
0x8e: {  	[smem:$0x3FC1] =	sst s2  }
0x8f: {  	_ = 	snop  }
0x90: {  	s2 =	sld [smem:$0x3FC9]  }
0x91: {  	s18 =	sld [smem:$0x3FD0];
	(tm) =	ssettm $0x1  }
0x92: {  	s4 =	sld [smem:$0x3FFB];
	_ =	sdelay $0x3  }
0x93: {  	_ =	strace s4  }
0x94: {  	s4 =	sld [smem:$0x3FFC];
	_ =	sdelay $0x3  }
0x95: {  	_ =	strace s4  }
0x96: {  	s4 =	sld [smem:$0x3FFD];
	_ =	sdelay $0x3  }
0x97: {  	_ =	strace s4  }
0x98: {  	_ =	strace $0x8FFFFFFF  }
0x99: {  	s19 =	sld [smem:$0x3FDB];
	_ =	sdelay $0x1  }
0x9a: {  	s5 =	simm.s32 $_scs_section_size  }
0x9b: {  	s6 =	simm.s32 $_size__tile_overlayer_lowered;
	s7 =	simm.s32 $_tile_overlayer_lowered  }
0x9c: {  	s22 =	simm.s32 $0x1BFF;
	s21 =	sshll.u32 s7, $0x1;
	s4 =	sadd.s32 s5, s19  }
0x9d: {  	s8 =	simm.s32 $0x0;
	s20 =	sshll.u32 s6, $0x1;
	s6 =	sadd.s32 s21, s4  }
0x9e: {  	[timem:s8], [sflag:s22] =	dma.local [hbm:s6], s20  }
0x9f: {  	_ =	swait.ge [sflag:s22], s20  }
0xa0: {  	s5 =	ssub.s32 $0x0, s20;
	[sflag:s22] =	ssyncset.done $0x0  }
0xa1: {  	[sflag:s22] =	ssyncadd.s32 s5;
	_ =	sdelay $0x1  }
0xa2: {  	s23 =	simm.s32 $0x1B8B  }
0xa3: {  	_ =	swait.ge [sflag:s23], $0x1  }
0xa4: {  	[sflag:s23] =	ssyncset.done $0x0  }
0xa5: {  	s25 =	simm.s32 $0x1B8E;
	s24 =	sld [smem:$0x3FFE];
	[sflag:s23] =	ssyncadd.s32 $0xFFFFFFFF  }
0xa6: {  	s26 =	simm.s32 $execute0_lowered;
	[smem:$0x3FD2] =	sst s25  }
0xa7: {  	s6 =	sshll.u32 s26, $0x1;
	_ =	strace $0x80000046;
	[dreg:$0x1] =	wrdreg $0xFFFFFFFF  }
0xa8: {  	s28 =	simm.s32 $_size_execute0_lowered;
	s4 =	sadd.s32 s4, s6;
	[dreg:$0x0] =	wrdreg $0x0  }
0xa9: {  	s6 =	sshll.u32 s28, $0x1;
	[dreg:$0x2] =	wrdreg s4  }
0xaa: {  	[dreg:$0x3] =	wrdreg s6  }
0xab: {  	[dreg:$0x4] =	wrdreg $0xC0  }
0xac: {  	_ =	task [dreg:s8], $0x5FFFF  }
0xad: {  	[dreg:$0x1] =	wrdreg $0xFFFFFFFF  }
0xae: {  	[dreg:$0x0] =	wrdreg $0x60  }
0xaf: {  	[dreg:$0x2] =	wrdreg s2  }
0xb0: {  	[dreg:$0x3] =	wrdreg s24  }
0xb1: {  	[dreg:$0x4] =	wrdreg s18  }
0xb2: {  	[dreg:$0x5] =	wrdreg $0x80200  }
0xb3: {  	[dreg:$0x6] =	wrdreg $0x1C0200  }
0xb4: {  	[dreg:$0x7] =	wrdreg $0x9  }
0xb5: {  	_ =	task.clear_ibuf [dreg:s8], $0x8FFFF;
	_ =	strace $0x90000046  }
0xb6: {  	s29 =	simm.s32 $0x9;
	_ =	strace $0x80000048  }
0xb7: {  	_ =	swait.ge [sflag:s29], $0x1  }
0xb8: {  	[sflag:s29] =	ssyncadd.s32 $0xFFFFFFFF  }
0xb9: {  	_ =	strace $0x90000048  }
0xba: {  	_ =	sfence  }
0xbb: {  	s30 =	sld [smem:$0x0];
	_ =	sdelay $0x2  }
0xbc: {  	s31 =	sshll.u32 s1, $0xD;
	s1 =	sshrl.u32 s1, $0x2  }
0xbd: {  	s3 =	sand.u32 $0x4000, s31;
	s1 =	sadd.s32 s1, s30  }
0xbe: {  	s0 =	sor.u32 s3, s0;
	s1 =	sshll.u32 s1, $0x11  }
0xbf: {  	s0 =	sor.u32 s1, s0  }
0xc0: {  	s0 =	sadd.s32 $0x8F2B, s0  }
0xc1: {  	[sflag:s0] =	ssyncadd.remote.s32 $0x1  }
0xc2: {  	_ =	sfence.sel $0xFFFF  }
0xc3: {  	[dreg:$0x0] =	wrdreg $0xFFFFFFFF;
	(pc) =	sbr.abs _section_cstart, $3  }
0xc4: {  	[dreg:$0x1] =	wrdreg $0xFFFFFFFF  }
0xc5: {  	_ =	task.clear_ibuf [dreg:s8], $0x2FFFF;
	_ =	strace $0x9FFFFFFF  }
0xc6: {  	(tm) =	ssettm $0x7FFFFFFF  }
0xc7: {  	_ =	shalt  }
tec
execute0_lowered:
.L_overlay_start_1:
0x0: {  	(tag) =	ssettag $0x1  }
0x1: {  	s1 =	rddreg [dreg:$0x0]  }
0x2: {  	s0 =	rddreg [dreg:$0x1]  }
0x3: {  	s2 =	rddreg [dreg:$0x2]  }
0x4: {  	s4 =	srdreg.scid;
	s24 =	stileid.u32  }
0x5: {  	s3 =	rddreg [dreg:$0x3];
	s10 =	smul.u32 $0x2800, s24  }
0x6: {  	s7 =	sand.u32 $0x1, s4;
	s5 =	sshll.u32 s24, $0x1;
	s12 =	smul.u32 $0x280, s24  }
0x7: {  	s4 =	rddreg [dreg:$0x4];
	s6 =	sor.u32 s7, s5;
	s8 =	smul.u32 $0x28000, s7  }
0x8: {  	s5 =	simm.s32 $0x0;
	s9 =	ssub.s32 $0x2, s7;
	s7 =	smul.u32 $0x5000, s7  }
0x9: {  	s6 =	smul.u32 $0x4E2, s6;
	[smem:$0x7FF] =	sst s5  }
0xa: {  	s23 =	sshrl.u32 s9, $0x1;
	s25 =	sadd.s32 s10, s4;
	s13 =	sadd.s32 $0xA0, s12  }
0xb: {  	s14 =	sadd.s32 $0xF0, s12;
	s16 =	sadd.s32 $0x140, s12;
	s18 =	sadd.s32 $0x190, s12  }
0xc: {  	s20 =	sadd.s32 $0x1E0, s12;
	s26 =	sshrl.u32 s10, $0x3;
	_ =	strace $0x80000047  }
0xd: {  	[dreg:$0x6] =	wrdreg s25;
	s2 =	sadd.s32 s2, s7;
	s15 =	sshll.u32 s13, $0x1  }
0xe: {  	s17 =	sshll.u32 s14, $0x1;
	s19 =	sshll.u32 s16, $0x1;
	s21 =	sshll.u32 s18, $0x1  }
0xf: {  	s22 =	sshll.u32 s20, $0x1;
	s11 =	sadd.s32 s6, s0;
	s0 =	sadd.s32 s8, s0  }
0x10: {  	s8 =	ssub.s32 s9, s23;
	s9 =	sor.u32 $0x50, s12;
	s25 =	sadd.s32 s26, s2  }
0x11: {  	s12 =	sadd.s32 $0x230, s12;
	s7 =	sadd.s32 s17, s2;
	[dreg:$0x7] =	wrdreg s25  }
0x12: {  	s10 =	sadd.s32 s19, s2;
	s17 =	sadd.s32 s22, s2;
	[dreg:$0xa] =	wrdreg s7  }
0x13: {  	s22 =	sshll.u32 s14, $0x7;
	s29 =	sshll.u32 s9, $0x1;
	[dreg:$0xb] =	wrdreg s10  }
0x14: {  	s23 =	sshll.u32 s12, $0x1;
	[dreg:$0xd] =	wrdreg s17;
	s19 =	sshll.u32 s9, $0x7  }
0x15: {  	s6 =	sshll.u32 s9, $0x4;
	s10 =	sshll.u32 s13, $0x4;
	s25 =	sshll.u32 s18, $0x7  }
0x16: {  	s9 =	sshll.u32 s12, $0x7;
	s30 =	sadd.s32 $0x15000, s0;
	s26 =	sadd.s32 s29, s2  }
0x17: {  	s29 =	sadd.s32 s15, s2;
	s15 =	sadd.s32 s21, s2;
	[dreg:$0xf] =	wrdreg s6  }
0x18: {  	s2 =	sadd.s32 s23, s2;
	s21 =	sshll.u32 s13, $0x7;
	[dreg:$0x10] =	wrdreg s10  }
0x19: {  	s23 =	sshll.u32 s16, $0x7;
	s13 =	sshll.u32 s14, $0x4;
	[dreg:$0x8] =	wrdreg s26  }
0x1a: {  	s14 =	sshll.u32 s16, $0x4;
	s16 =	sshll.u32 s18, $0x4;
	[dreg:$0x9] =	wrdreg s29  }
0x1b: {  	s18 =	sshll.u32 s20, $0x4;
	s28 =	sadd.s32 s9, s3;
	[dreg:$0xc] =	wrdreg s15  }
0x1c: {  	s9 =	sadd.s32 s6, s4;
	s10 =	sadd.s32 s10, s4;
	[dreg:$0xe] =	wrdreg s2  }
0x1d: {  	s15 =	sadd.s32 s19, s3;
	s17 =	sadd.s32 s21, s3;
	s19 =	sadd.s32 s22, s3  }
0x1e: {  	s21 =	sadd.s32 s23, s3;
	s26 =	sshll.u32 s20, $0x7;
	[dreg:$0x11] =	wrdreg s13  }
0x1f: {  	s23 =	sadd.s32 s25, s3;
	s29 =	smul.u32 $0x14000, s24;
	[dreg:$0x12] =	wrdreg s14  }
0x20: {  	s20 =	sshll.u32 s12, $0x4;
	s24 =	sadd.s32 $0xB200, s11;
	[dreg:$0x13] =	wrdreg s16  }
0x21: {  	s12 =	sadd.s32 s14, s4;
	[dreg:$0x14] =	wrdreg s18;
	s14 =	sadd.s32 s18, s4  }
0x22: {  	s18 =	simm.s32 $0x4E20;
	s2 =	simm.s32 $0x7620;
	s25 =	sadd.s32 s26, s3  }
0x23: {  	[dreg:$0x16] =	wrdreg s24;
	s26 =	sadd.s32 $0x1400, s11;
	s11 =	sadd.s32 s13, s4  }
0x24: {  	s13 =	sadd.s32 s16, s4;
	[dreg:$0x15] =	wrdreg s20;
	s16 =	sadd.s32 s20, s4  }
0x25: {  	s20 =	simm.s32 $0x3;
	s24 =	simm.s32 $0x50;
	s31 =	sadd.s32 s29, s3  }
0x26: {  	s22 =	sshrl.u32 s29, $0x3;
	[dreg:$0x17] =	wrdreg s26;
	s29 =	smax.u32 s8, $0x1  }
0x27: {  	s26 =	simm.s32 $0x2;
	[dreg:$0x18] =	wrdreg s29;
	s0 =	sadd.s32 s22, s30  }
0x28: {  	v0 =	vimm.f32 $0.0e+00;
	v1 =	vimm.f32 $1.000000000e+00;
	s22 =	simm.s32 $0x7B20;
	[dreg:$0x19] =	wrdreg s0;
	s0 =	simm.s32 $0x1  }
.LBB2_1:
0x29: {  	s7 =	simm.s32 $0x0;
	s8 =	simm.s32 $0x0  }
.LBB2_2:
0x2a: {  	p0 =	sne.s32 s8, $0x9FC0  }
.Ltmp0:
0x2b: {  	_ = 	snop;
	(pc) =	sbr.rel @p0 .LBB2_2-.Ltmp0, $4  }
0x2c: {  	s29 =	sand.u32 $0xFE00, s8  }
0x2d: {  	s6 =	sand.u32 $0x70, s7;
	s29 =	sshrl.u32 s29, $0x2  }
0x2e: {  	s6 =	sor.u32 s6, s29  }
0x2f: {  	s7 =	sadd.s32 $0x10, s7;
	s8 =	sadd.s32 $0x40, s8;
	[tilespmem:s6+$0x4E20] =	vst v0  }
0x30: {  	s7 =	simm.s32 $0x40;
	s8 =	simm.s32 $0x0  }
.LBB2_4:
0x31: {  	p0 =	sne.s32 s7, $0x13C0;
	[tilespmem:s8+$0x7B20] =	vst v0;
	s6 =	smov.u32 s7;
	s7 =	sadd.s32 $0x40, s7  }
.Ltmp1:
0x32: {  	[tilespmem:s8+$0x7620] =	vst v1;
	(pc) =	sbr.rel @p0 .LBB2_4-.Ltmp1, $2  }
0x33: {  	_ =	sdelay $0x2  }
0x34: {  	s8 =	sshra.s32 s6, $0x2  }
0x35: {  	[tilespmem:s8+$0x7B20] =	vst v0  }
0x36: {  	[tilespmem:s8+$0x7620] =	vst v1  }
0x37: {  	[spmem:s31] =	stream.linear.scatter [tilespmem:s18], [sflag:$0x3], $0x2800, $0x38;
	[tilespmem:$0x1E820] =	vst v63  }
0x38: {  	_ =	swait.ge [sflag:s20], $0x2800  }
0x39: {  	[sflag:s20] =	ssyncset.done $0x0  }
0x3a: {  	s6 =	rddreg [dreg:$0x6];
	[sflag:s20] =	ssyncadd.s32 $0xFFFFD800  }
0x3b: {  	[spmem:s6] =	stream.linear.scatter [tilespmem:s22], [sflag:$0x3], $0x500, $0x38;
	[tilespmem:$0x1E820] =	vst v63  }
0x3c: {  	_ =	swait.ge [sflag:s20], $0x500  }
0x3d: {  	[sflag:s20] =	ssyncset.done $0x0  }
0x3e: {  	[sflag:s20] =	ssyncadd.s32 $0xFFFFFB00  }
0x3f: {  	[spmem:s15] =	stream.linear.scatter [tilespmem:s18], [sflag:$0x3], $0x2800, $0x38;
	[tilespmem:$0x1E820] =	vst v63  }
0x40: {  	_ =	swait.ge [sflag:s20], $0x2800  }
0x41: {  	[sflag:s20] =	ssyncset.done $0x0  }
0x42: {  	[sflag:s20] =	ssyncadd.s32 $0xFFFFD800  }
0x43: {  	[spmem:s9] =	stream.linear.scatter [tilespmem:s22], [sflag:$0x3], $0x500, $0x38;
	[tilespmem:$0x1E820] =	vst v63  }
0x44: {  	_ =	swait.ge [sflag:s20], $0x500  }
0x45: {  	[sflag:s20] =	ssyncset.done $0x0  }
0x46: {  	[sflag:s20] =	ssyncadd.s32 $0xFFFFFB00  }
0x47: {  	[spmem:s17] =	stream.linear.scatter [tilespmem:s18], [sflag:$0x3], $0x2800, $0x38;
	[tilespmem:$0x1E820] =	vst v63  }
0x48: {  	_ =	swait.ge [sflag:s20], $0x2800  }
0x49: {  	[sflag:s20] =	ssyncset.done $0x0  }
0x4a: {  	[sflag:s20] =	ssyncadd.s32 $0xFFFFD800  }
0x4b: {  	[spmem:s10] =	stream.linear.scatter [tilespmem:s22], [sflag:$0x3], $0x500, $0x38;
	[tilespmem:$0x1E820] =	vst v63  }
0x4c: {  	_ =	swait.ge [sflag:s20], $0x500  }
0x4d: {  	[sflag:s20] =	ssyncset.done $0x0  }
0x4e: {  	[sflag:s20] =	ssyncadd.s32 $0xFFFFFB00  }
0x4f: {  	[spmem:s19] =	stream.linear.scatter [tilespmem:s18], [sflag:$0x3], $0x2800, $0x38;
	[tilespmem:$0x1E820] =	vst v63  }
0x50: {  	_ =	swait.ge [sflag:s20], $0x2800  }
0x51: {  	[sflag:s20] =	ssyncset.done $0x0  }
0x52: {  	[sflag:s20] =	ssyncadd.s32 $0xFFFFD800  }
0x53: {  	[spmem:s11] =	stream.linear.scatter [tilespmem:s22], [sflag:$0x3], $0x500, $0x38;
	[tilespmem:$0x1E820] =	vst v63  }
0x54: {  	_ =	swait.ge [sflag:s20], $0x500  }
0x55: {  	[sflag:s20] =	ssyncset.done $0x0  }
0x56: {  	[sflag:s20] =	ssyncadd.s32 $0xFFFFFB00  }
0x57: {  	[spmem:s21] =	stream.linear.scatter [tilespmem:s18], [sflag:$0x3], $0x2800, $0x38;
	[tilespmem:$0x1E820] =	vst v63  }
0x58: {  	_ =	swait.ge [sflag:s20], $0x2800  }
0x59: {  	[sflag:s20] =	ssyncset.done $0x0  }
0x5a: {  	[sflag:s20] =	ssyncadd.s32 $0xFFFFD800  }
0x5b: {  	[spmem:s12] =	stream.linear.scatter [tilespmem:s22], [sflag:$0x3], $0x500, $0x38;
	[tilespmem:$0x1E820] =	vst v63  }
0x5c: {  	_ =	swait.ge [sflag:s20], $0x500  }
0x5d: {  	[sflag:s20] =	ssyncset.done $0x0  }
0x5e: {  	[sflag:s20] =	ssyncadd.s32 $0xFFFFFB00  }
0x5f: {  	[spmem:s23] =	stream.linear.scatter [tilespmem:s18], [sflag:$0x3], $0x2800, $0x38;
	[tilespmem:$0x1E820] =	vst v63  }
0x60: {  	_ =	swait.ge [sflag:s20], $0x2800  }
0x61: {  	[sflag:s20] =	ssyncset.done $0x0  }
0x62: {  	[sflag:s20] =	ssyncadd.s32 $0xFFFFD800  }
0x63: {  	[spmem:s13] =	stream.linear.scatter [tilespmem:s22], [sflag:$0x3], $0x500, $0x38;
	[tilespmem:$0x1E820] =	vst v63  }
0x64: {  	_ =	swait.ge [sflag:s20], $0x500  }
0x65: {  	[sflag:s20] =	ssyncset.done $0x0  }
0x66: {  	[sflag:s20] =	ssyncadd.s32 $0xFFFFFB00  }
0x67: {  	[spmem:s25] =	stream.linear.scatter [tilespmem:s18], [sflag:$0x3], $0x2800, $0x38;
	[tilespmem:$0x1E820] =	vst v63  }
0x68: {  	_ =	swait.ge [sflag:s20], $0x2800  }
0x69: {  	[sflag:s20] =	ssyncset.done $0x0  }
0x6a: {  	[sflag:s20] =	ssyncadd.s32 $0xFFFFD800  }
0x6b: {  	[spmem:s14] =	stream.linear.scatter [tilespmem:s22], [sflag:$0x3], $0x500, $0x38;
	[tilespmem:$0x1E820] =	vst v63  }
0x6c: {  	_ =	swait.ge [sflag:s20], $0x500  }
0x6d: {  	[sflag:s20] =	ssyncset.done $0x0  }
0x6e: {  	[sflag:s20] =	ssyncadd.s32 $0xFFFFFB00  }
0x6f: {  	[spmem:s28] =	stream.linear.scatter [tilespmem:s18], [sflag:$0x3], $0x2800, $0x38;
	[tilespmem:$0x1E820] =	vst v63  }
0x70: {  	_ =	swait.ge [sflag:s20], $0x2800  }
0x71: {  	[sflag:s20] =	ssyncset.done $0x0  }
0x72: {  	[sflag:s20] =	ssyncadd.s32 $0xFFFFD800  }
0x73: {  	[spmem:s16] =	stream.linear.scatter [tilespmem:s22], [sflag:$0x3], $0x500, $0x38;
	[tilespmem:$0x1E820] =	vst v63  }
0x74: {  	_ =	swait.ge [sflag:s20], $0x500  }
0x75: {  	[sflag:s20] =	ssyncset.done $0x0  }
0x76: {  	s6 =	simm.s32 $0x0;
	s7 =	rddreg [dreg:$0x16];
	[sflag:s20] =	ssyncadd.s32 $0xFFFFFB00  }
0x77: {  	[tilespmem:s6], [sflag:$0x3] =	stream.linear.gather [hbm4b:s7+s6], $0x2710, $0x38;
	[tilespmem:$0x1E820] =	vst v63  }
0x78: {  	_ =	swait.ge [sflag:s20], $0x2710  }
0x79: {  	[sflag:s20] =	ssyncset.done $0x0  }
0x7a: {  	s29 =	simm.s32 $0x2710;
	s8 =	rddreg [dreg:$0x17];
	[sflag:s20] =	ssyncadd.s32 $0xFFFFD8F0  }
0x7b: {  	[tilespmem:s29], [sflag:$0x3] =	stream.linear.gather [hbm4b:s8+s6], $0x2710, $0x38;
	[tilespmem:$0x1E820] =	vst v63  }
0x7c: {  	_ =	swait.ge [sflag:s20], $0x2710  }
0x7d: {  	[sflag:s20] =	ssyncset.done $0x0  }
0x7e: {  	[sflag:s20] =	ssyncadd.s32 $0xFFFFD8F0  }
0x7f: {  	s8 =	simm.s32 $0x0;
	[bflag:$0x0] =	sbarrier.arrive $0xFFFF  }
0x80: {  	[tilespmem:s18], [sflag:$0x1] =	stream.indirect.gather [hbm4b:s1+s24], $0x80, s8, s24, $0xb8;
	[tilespmem:$0x1E820] =	vst v63  }
0x81: {  	s29 =	simm.s32 $0x2710  }
0x82: {  	[spmem:s4] =	stream.indirect.scatter.add.f32 [tilespmem:s2], [sflag:$0x2], $0x10, s29, s24, $0xb8;
	[tilespmem:$0x1E820] =	vst v63  }
0x83: {  	_ =	swait.ge [sflag:s0], $0x2800  }
0x84: {  	[sflag:s0] =	ssyncset.done $0x0  }
0x85: {  	[sflag:s0] =	ssyncadd.s32 $0xFFFFD800  }
0x86: {  	[spmem:s3] =	stream.indirect.scatter.add.f32 [tilespmem:s18], [sflag:$0x3], $0x80, s29, s24, $0xb8;
	[tilespmem:$0x1E820] =	vst v63  }
0x87: {  	_ =	swait.ge [sflag:s20], $0x2800  }
0x88: {  	s7 =	simm.s32 $0x140;
	s8 =	simm.s32 $0x280;
	[sflag:s20] =	ssyncset.done $0x0  }
.LBB2_6:
0x89: {  	s6 =	sshra.s32 s7, $0x2  }
0x8a: {  	[sflag:s20] =	ssyncadd.s32 $0xFFFFD800;
	s7 =	smov.u32 s8;
	s29 =	sadd.s32 $0x140, s8  }
0x8b: {  	[tilespmem:s18], [sflag:$0x1] =	stream.indirect.gather [hbm4b:s1+s24], $0x80, s6, s24, $0xb8;
	[tilespmem:$0x1E820] =	vst v63  }
0x8c: {  	p0 =	sne.s32 s8, $0x9B00;
	s6 =	sadd.s32 $0x2710, s6  }
0x8d: {  	[spmem:s4] =	stream.indirect.scatter.add.f32 [tilespmem:s2], [sflag:$0x2], $0x10, s6, s24, $0xb8;
	[tilespmem:$0x1E820] =	vst v63  }
0x8e: {  	_ =	swait.ge [sflag:s0], $0x2800  }
.Ltmp2:
0x8f: {  	[sflag:s0] =	ssyncset.done $0x0;
	(pc) =	sbr.rel @p0 .LBB2_6-.Ltmp2, $4  }
0x90: {  	[sflag:s0] =	ssyncadd.s32 $0xFFFFD800  }
0x91: {  	[spmem:s3] =	stream.indirect.scatter.add.f32 [tilespmem:s18], [sflag:$0x3], $0x80, s6, s24, $0xb8;
	[tilespmem:$0x1E820] =	vst v63  }
0x92: {  	_ =	swait.ge [sflag:s20], $0x2800  }
0x93: {  	s8 =	smov.u32 s29;
	[sflag:s20] =	ssyncset.done $0x0  }
0x94: {  	s6 =	sshra.s32 s7, $0x2;
	[sflag:s20] =	ssyncadd.s32 $0xFFFFD800  }
0x95: {  	[tilespmem:s18], [sflag:$0x1] =	stream.indirect.gather [hbm4b:s1+s24], $0x80, s6, s24, $0xb8;
	[tilespmem:$0x1E820] =	vst v63  }
0x96: {  	s6 =	sadd.s32 $0x2710, s6  }
0x97: {  	[spmem:s4] =	stream.indirect.scatter.add.f32 [tilespmem:s2], [sflag:$0x2], $0x10, s6, s24, $0xb8;
	[tilespmem:$0x1E820] =	vst v63  }
0x98: {  	_ =	swait.ge [sflag:s0], $0x2800  }
0x99: {  	[sflag:s0] =	ssyncset.done $0x0  }
0x9a: {  	[sflag:s0] =	ssyncadd.s32 $0xFFFFD800  }
0x9b: {  	[spmem:s3] =	stream.indirect.scatter.add.f32 [tilespmem:s18], [sflag:$0x3], $0x80, s6, s24, $0xb8;
	[tilespmem:$0x1E820] =	vst v63  }
0x9c: {  	_ =	swait.ge [sflag:s20], $0x2800  }
0x9d: {  	[sflag:s20] =	ssyncset.done $0x0  }
0x9e: {  	[sflag:s20] =	ssyncadd.s32 $0xFFFFD800  }
0x9f: {  	_ =	swait.ge [sflag:s26], $0x500  }
0xa0: {  	s7 =	simm.s32 $0x7C;
	[sflag:s26] =	ssyncset.done $0x0  }
.LBB2_8:
0xa1: {  	p0 =	sne.s32 s7, $0x1;
	s7 =	sadd.s32 $0xFFFFFFFF, s7;
	[sflag:s26] =	ssyncadd.s32 $0xFFFFFB00  }
.Ltmp3:
0xa2: {  	(pc) =	sbr.rel @p0 .LBB2_8-.Ltmp3, $3  }
0xa3: {  	_ =	sdelay $0x1  }
0xa4: {  	_ =	swait.ge [sflag:s26], $0x500  }
0xa5: {  	[sflag:s26] =	ssyncset.done $0x0  }
0xa6: {  	[sflag:s26] =	ssyncadd.s32 $0xFFFFFB00;
	s6 =	stileid.u32  }
0xa7: {  	s6 =	sshll.u32 s6, $0x6;
	[bflag:$0x0] =	sbarrier.arrive $0xFFFF  }
0xa8: {  	s29 =	sshrl.u32 s31, $0x3;
	s7 =	sor.u32 $0x1C03, s6;
	s8 =	rddreg [dreg:$0x19]  }
0xa9: {  	[hbm:s8], [sflag:s7] =	dma.local [spmem:s29], $0x500  }
0xaa: {  	_ =	swait.ge [sflag:s20], $0x500  }
0xab: {  	[sflag:s20] =	ssyncset.done $0x0;
	s8 =	rddreg [dreg:$0x6]  }
0xac: {  	s29 =	rddreg [dreg:$0x7];
	[sflag:s20] =	ssyncadd.s32 $0xFFFFFB00;
	s6 =	sshrl.u32 s8, $0x3  }
0xad: {  	[hbm:s29], [sflag:s7] =	dma.local [spmem:s6], $0xA0  }
0xae: {  	_ =	swait.ge [sflag:s20], $0xA0  }
0xaf: {  	[sflag:s20] =	ssyncset.done $0x0;
	s8 =	rddreg [dreg:$0xf]  }
0xb0: {  	s29 =	sshrl.u32 s15, $0x3;
	[sflag:s20] =	ssyncadd.s32 $0xFFFFFF60;
	s6 =	sadd.s32 s8, s30  }
0xb1: {  	[hbm:s6], [sflag:s7] =	dma.local [spmem:s29], $0x500  }
0xb2: {  	_ =	swait.ge [sflag:s20], $0x500  }
0xb3: {  	[sflag:s20] =	ssyncset.done $0x0  }
0xb4: {  	s8 =	sshrl.u32 s9, $0x3;
	s29 =	rddreg [dreg:$0x8];
	[sflag:s20] =	ssyncadd.s32 $0xFFFFFB00  }
0xb5: {  	[hbm:s29], [sflag:s7] =	dma.local [spmem:s8], $0xA0  }
0xb6: {  	_ =	swait.ge [sflag:s20], $0xA0  }
0xb7: {  	[sflag:s20] =	ssyncset.done $0x0;
	s8 =	rddreg [dreg:$0x10]  }
0xb8: {  	s29 =	sshrl.u32 s17, $0x3;
	[sflag:s20] =	ssyncadd.s32 $0xFFFFFF60;
	s6 =	sadd.s32 s8, s30  }
0xb9: {  	[hbm:s6], [sflag:s7] =	dma.local [spmem:s29], $0x500  }
0xba: {  	_ =	swait.ge [sflag:s20], $0x500  }
0xbb: {  	[sflag:s20] =	ssyncset.done $0x0  }
0xbc: {  	s8 =	sshrl.u32 s10, $0x3;
	s29 =	rddreg [dreg:$0x9];
	[sflag:s20] =	ssyncadd.s32 $0xFFFFFB00  }
0xbd: {  	[hbm:s29], [sflag:s7] =	dma.local [spmem:s8], $0xA0  }
0xbe: {  	_ =	swait.ge [sflag:s20], $0xA0  }
0xbf: {  	[sflag:s20] =	ssyncset.done $0x0;
	s8 =	rddreg [dreg:$0x11]  }
0xc0: {  	s29 =	sshrl.u32 s19, $0x3;
	[sflag:s20] =	ssyncadd.s32 $0xFFFFFF60;
	s6 =	sadd.s32 s8, s30  }
0xc1: {  	[hbm:s6], [sflag:s7] =	dma.local [spmem:s29], $0x500  }
0xc2: {  	_ =	swait.ge [sflag:s20], $0x500  }
0xc3: {  	[sflag:s20] =	ssyncset.done $0x0  }
0xc4: {  	s8 =	sshrl.u32 s11, $0x3;
	s29 =	rddreg [dreg:$0xa];
	[sflag:s20] =	ssyncadd.s32 $0xFFFFFB00  }
0xc5: {  	[hbm:s29], [sflag:s7] =	dma.local [spmem:s8], $0xA0  }
0xc6: {  	_ =	swait.ge [sflag:s20], $0xA0  }
0xc7: {  	[sflag:s20] =	ssyncset.done $0x0;
	s8 =	rddreg [dreg:$0x12]  }
0xc8: {  	s29 =	sshrl.u32 s21, $0x3;
	[sflag:s20] =	ssyncadd.s32 $0xFFFFFF60;
	s6 =	sadd.s32 s8, s30  }
0xc9: {  	[hbm:s6], [sflag:s7] =	dma.local [spmem:s29], $0x500  }
0xca: {  	_ =	swait.ge [sflag:s20], $0x500  }
0xcb: {  	[sflag:s20] =	ssyncset.done $0x0  }
0xcc: {  	s8 =	sshrl.u32 s12, $0x3;
	s29 =	rddreg [dreg:$0xb];
	[sflag:s20] =	ssyncadd.s32 $0xFFFFFB00  }
0xcd: {  	[hbm:s29], [sflag:s7] =	dma.local [spmem:s8], $0xA0  }
0xce: {  	_ =	swait.ge [sflag:s20], $0xA0  }
0xcf: {  	[sflag:s20] =	ssyncset.done $0x0;
	s8 =	rddreg [dreg:$0x13]  }
0xd0: {  	s29 =	sshrl.u32 s23, $0x3;
	[sflag:s20] =	ssyncadd.s32 $0xFFFFFF60;
	s6 =	sadd.s32 s8, s30  }
0xd1: {  	[hbm:s6], [sflag:s7] =	dma.local [spmem:s29], $0x500  }
0xd2: {  	_ =	swait.ge [sflag:s20], $0x500  }
0xd3: {  	[sflag:s20] =	ssyncset.done $0x0  }
0xd4: {  	s8 =	sshrl.u32 s13, $0x3;
	s29 =	rddreg [dreg:$0xc];
	[sflag:s20] =	ssyncadd.s32 $0xFFFFFB00  }
0xd5: {  	[hbm:s29], [sflag:s7] =	dma.local [spmem:s8], $0xA0  }
0xd6: {  	_ =	swait.ge [sflag:s20], $0xA0  }
0xd7: {  	[sflag:s20] =	ssyncset.done $0x0;
	s8 =	rddreg [dreg:$0x14]  }
0xd8: {  	s29 =	sshrl.u32 s25, $0x3;
	[sflag:s20] =	ssyncadd.s32 $0xFFFFFF60;
	s6 =	sadd.s32 s8, s30  }
0xd9: {  	[hbm:s6], [sflag:s7] =	dma.local [spmem:s29], $0x500  }
0xda: {  	_ =	swait.ge [sflag:s20], $0x500  }
0xdb: {  	[sflag:s20] =	ssyncset.done $0x0  }
0xdc: {  	s8 =	sshrl.u32 s14, $0x3;
	s29 =	rddreg [dreg:$0xd];
	[sflag:s20] =	ssyncadd.s32 $0xFFFFFB00  }
0xdd: {  	[hbm:s29], [sflag:s7] =	dma.local [spmem:s8], $0xA0  }
0xde: {  	_ =	swait.ge [sflag:s20], $0xA0  }
0xdf: {  	[sflag:s20] =	ssyncset.done $0x0;
	s8 =	rddreg [dreg:$0x15]  }
0xe0: {  	s29 =	sshrl.u32 s28, $0x3;
	[sflag:s20] =	ssyncadd.s32 $0xFFFFFF60;
	s6 =	sadd.s32 s8, s30  }
0xe1: {  	[hbm:s6], [sflag:s7] =	dma.local [spmem:s29], $0x500  }
0xe2: {  	_ =	swait.ge [sflag:s20], $0x500  }
0xe3: {  	[sflag:s20] =	ssyncset.done $0x0  }
0xe4: {  	s8 =	sshrl.u32 s16, $0x3;
	s29 =	rddreg [dreg:$0xe];
	[sflag:s20] =	ssyncadd.s32 $0xFFFFFB00  }
0xe5: {  	[hbm:s29], [sflag:s7] =	dma.local [spmem:s8], $0xA0  }
0xe6: {  	_ =	swait.ge [sflag:s20], $0xA0  }
0xe7: {  	s5 =	sadd.s32 $0x1, s5;
	s29 =	rddreg [dreg:$0x18]  }
0xe8: {  	p0 =	sne.s32 s5, s29  }
.Ltmp4:
0xe9: {  	_ = 	snop;
	(pc) =	sbr.rel @p0 .LBB2_1-.Ltmp4, $3  }
0xea: {  	_ =	sdelay $0x1  }
0xeb: {  	[sflag:s20] =	ssyncset.done $0x0  }
0xec: {  	[sflag:s20] =	ssyncadd.s32 $0xFFFFFF60  }
0xed: {  	_ =	sfence.sel $0x180000  }
0xee: {  	[bflag:$0x0] =	sbarrier.arrive $0xFFFF  }
0xef: {  	_ =	strace $0x90000047  }
0xf0: {  	s0 =	stileid.u32;
	[bflag:$0x2] =	sbarrier.arrive $0xFFFF  }
0xf1: {  	p0 =	sne.s32 s0, $0x0;
	s0 =	rddreg [dreg:$0x5]  }
0xf2: {  	s0 =	sadd.s32 @!p0 $0x100000, s0  }
0xf3: {  	[sflag:s0] =	ssyncadd.tile.s32 @!p0 $0x1;
	_ =	shalt  }
.Lfunc_end2:
_tile_overlayer_lowered:
.L_overlay_start_2:
0xf4: {  	(tag) =	ssettag $0x2  }
0xf5: {  	s0 =	rddreg [dreg:$0x0];
	s2 =	stileid.u32  }
0xf6: {  	s1 =	rddreg [dreg:$0x1];
	p0 =	sne.s32 s2, $0x0  }
0xf7: {  	s3 =	rddreg [dreg:$0x2];
	[bflag:$0x3] =	sbarrier.arrive $0xFFFF;
	s2 =	simm.s32 @!p0 $0x1C03  }
0xf8: {  	[timem:s3], [sflag:s2] =	dma.local @!p0 [hbm:s0], s1  }
0xf9: {  	s0 =	simm.s32 @!p0 $0x3  }
0xfa: {  	_ =	swait.ge @!p0 [sflag:s0], s1  }
0xfb: {  	s1 =	ssub.s32 @!p0 $0x0, s1;
	[sflag:s0] =	ssyncset.done @!p0 $0x0  }
0xfc: {  	[sflag:s0] =	ssyncadd.s32 @!p0 s1  }
0xfd: {  	[bflag:$0x3] =	sbarrier.arrive $0xFFFF  }
0xfe: {  	_ =	shalt  }

</sc_bundles>
